<compile_context>
chip_gen: v7x
topology: tpu7x:2x2x1
jax: 0.10.2.dev20260603
libtpu: 0.0.44.dev20260713+nightly
codegen_flags: <defaults>
</compile_context>

<pallas_src>
import functools

import jax
import jax.numpy as jnp
from jax import lax
from jax.experimental import pallas as pl
from jax.experimental.pallas import tpu as pltpu
from jax.experimental.pallas import tpu_sc as plsc

B = 128
H = 8
V = 4096
NW = 32
R_SC = 64
RPW = R_SC // NW
LANE = 16
ACT_N = RPW * H
LN2 = 0.6931471805599453


def _lane_perm(v, idx):
    return lax.gather(
        v, idx[:, None],
        dimension_numbers=lax.GatherDimensionNumbers(
            offset_dims=(), collapsed_slice_dims=(0,), start_index_map=(0,)),
        slice_sizes=(1,),
        mode=lax.GatherScatterMode.PROMISE_IN_BOUNDS)


def _tree(vs, op):
    vs = list(vs)
    while len(vs) > 1:
        vs = [op(vs[i], vs[i + 1]) for i in range(0, len(vs) - 1, 2)] + (
            [vs[-1]] if len(vs) % 2 else [])
    return vs[0]


def _allreduce(v, lanes, op, steps=(8, 4, 2, 1)):
    for k in steps:
        v = op(v, _lane_perm(v, lanes ^ k))
    return v


def _ln(s, lanes):
    bits = lax.bitcast_convert_type(s, jnp.int32)
    e = (bits >> 23) - 127
    f = lax.bitcast_convert_type((bits & 0x7FFFFF) | 0x3F800000,
                                 jnp.float32)
    t = f - 1.0
    z = t / (t + 2.0)
    z2 = z * z
    y = e.astype(jnp.float32) * LN2 + z * (2.0 + z2 * (2.0 / 3.0 + z2 * 0.4))
    for _ in range(2):
        y = y + (s * jnp.exp(-y) - 1.0)
    return y


FU = 4
NJ = V // (FU * LANE)


def _row_stats(buf, av_g, parity, lanes, carry):
    m_vec, s_vec, u_vec, xa_vec = carry
    base_lane = parity * H
    zeros = jnp.zeros((LANE,), jnp.float32)
    zerosU = tuple(zeros for _ in range(FU))
    neginfU = tuple(jnp.full((LANE,), -jnp.inf, jnp.float32)
                    for _ in range(FU))

    def at_of(h):
        return _lane_perm(av_g, jnp.full((LANE,), base_lane + h, jnp.int32))

    at0 = at_of(0)

    def p1_body(jj, st):
        maccs, xacc, cols = st
        base = jj * (FU * LANE)
        maccs = list(maccs)
        for k in range(FU):
            v = buf[pl.ds(base + k * LANE, LANE)]
            xacc = jnp.where(cols + k * LANE == at0, v, xacc)
            maccs[k] = jnp.maximum(maccs[k], v)
        return tuple(maccs), xacc, cols + FU * LANE

    maccs, xacc, _ = lax.fori_loop(0, NJ, p1_body, (neginfU, zeros, lanes))
    mt = _allreduce(_tree(maccs, jnp.maximum), lanes, jnp.maximum)
    xat = _lane_perm(xacc, at0 & (LANE - 1))

    def head_body(h, c):
        m_vec, s_vec, u_vec, xa_vec, mt, xat = c
        at = at_of(h)

        def fused_body(jj, st):
            maccs, xacc, cols, ss, uu = st
            b1 = h * V + jj * (FU * LANE)
            b2 = b1 - V
            maccs, ss, uu = list(maccs), list(ss), list(uu)
            for k in range(FU):
                v2 = buf[pl.ds(b2 + k * LANE, LANE)]
                d = v2 - mt
                ex = jnp.exp(d)
                ss[k] = ss[k] + ex
                uu[k] = uu[k] + d * ex
                v1 = buf[pl.ds(b1 + k * LANE, LANE)]
                xacc = jnp.where(cols + k * LANE == at, v1, xacc)
                maccs[k] = jnp.maximum(maccs[k], v1)
            return tuple(maccs), xacc, cols + FU * LANE, tuple(ss), tuple(uu)

        maccs, xacc, _, ss, uu = lax.fori_loop(
            0, NJ, fused_body, (neginfU, zeros, lanes, zerosU, zerosU))
        st = _allreduce(_tree(ss, jnp.add), lanes, jnp.add)
        ut = _allreduce(_tree(uu, jnp.add), lanes, jnp.add)
        sel = lanes == (base_lane + h - 1)
        c_out = (jnp.where(sel, mt, m_vec),
                 jnp.where(sel, st, s_vec),
                 jnp.where(sel, ut, u_vec),
                 jnp.where(sel, xat, xa_vec),
                 _allreduce(_tree(maccs, jnp.maximum), lanes, jnp.maximum),
                 _lane_perm(xacc, at & (LANE - 1)))
        return c_out

    m_vec, s_vec, u_vec, xa_vec, mt, xat = lax.fori_loop(
        1, H, head_body, (m_vec, s_vec, u_vec, xa_vec, mt, xat))

    def p2_body(jj, st):
        ss, uu = st
        base = (H - 1) * V + jj * (FU * LANE)
        ss, uu = list(ss), list(uu)
        for k in range(FU):
            v = buf[pl.ds(base + k * LANE, LANE)]
            d = v - mt
            ex = jnp.exp(d)
            ss[k] = ss[k] + ex
            uu[k] = uu[k] + d * ex
        return tuple(ss), tuple(uu)

    ss, uu = lax.fori_loop(0, NJ, p2_body, (zerosU, zerosU))
    st = _allreduce(_tree(ss, jnp.add), lanes, jnp.add)
    ut = _allreduce(_tree(uu, jnp.add), lanes, jnp.add)
    sel = lanes == (base_lane + H - 1)
    return (jnp.where(sel, mt, m_vec),
            jnp.where(sel, st, s_vec),
            jnp.where(sel, ut, u_vec),
            jnp.where(sel, xat, xa_vec))


def _sc_kernel(policy_hbm, actions_hbm, out_hbm, buf0, buf1, act_v,
               st_lp, st_ent, sem0, sem1):
    wid = lax.axis_index("s") * 2 + lax.axis_index("c")
    r0 = wid * RPW
    lanes = lax.iota(jnp.int32, LANE)

    pltpu.sync_copy(actions_hbm.at[pl.ds(wid * ACT_N, ACT_N)],
                    act_v.at[pl.ds(0, ACT_N)])

    bufs = (buf0, buf1)
    sems = (sem0, sem1)
    copies = [None] * RPW
    for i in range(min(2, RPW)):
        copies[i] = pltpu.async_copy(
            policy_hbm.at[r0 + i], bufs[i % 2], sems[i % 2])

    stage_lp = jnp.zeros((LANE,), jnp.float32)
    stage_ent = jnp.zeros((LANE,), jnp.float32)
    row_pick = (lanes & 1) * 8
    zeros = jnp.zeros((LANE,), jnp.float32)

    carry = (zeros, zeros, zeros, zeros)
    for i in range(RPW):
        g, parity = i // 2, i % 2
        if parity == 0:
            carry = (zeros, zeros, zeros, zeros)
        av_g = act_v[pl.ds(min(g * LANE, max(0, ACT_N - LANE)), LANE)]
        copies[i].wait()
        carry = _row_stats(bufs[i % 2], av_g, parity, lanes, carry)
        if i + 2 < RPW:
            copies[i + 2] = pltpu.async_copy(
                policy_hbm.at[r0 + i + 2], bufs[i % 2], sems[i % 2])
        if parity == 1 or i == RPW - 1:
            m_vec, s_vec, u_vec, xa_vec = carry
            ln_s = _ln(s_vec, lanes)
            lp = xa_vec - m_vec - ln_s
            ent = ln_s - u_vec / s_vec
            lp = _allreduce(lp, lanes, jnp.add, steps=(4, 2, 1))
            ent = _allreduce(ent, lanes, jnp.add, steps=(4, 2, 1))
            gsel = (lanes >> 1) == g
            stage_lp = jnp.where(gsel, _lane_perm(lp, row_pick), stage_lp)
            stage_ent = jnp.where(gsel, _lane_perm(ent, row_pick), stage_ent)

    st_lp[...] = stage_lp
    st_ent[...] = stage_ent
    pltpu.sync_copy(st_lp, out_hbm.at[0, wid])
    pltpu.sync_copy(st_ent, out_hbm.at[1, wid])


def _sc_main(policy_output, actions_flat):
    mesh = plsc.VectorSubcoreMesh(core_axis_name="c", subcore_axis_name="s")
    k = functools.partial(
        pl.kernel,
        mesh=mesh,
        out_type=jax.ShapeDtypeStruct((2, NW, LANE), jnp.float32),
        scratch_types=[
            pltpu.VMEM((H * V,), jnp.float32),
            pltpu.VMEM((H * V,), jnp.float32),
            pltpu.VMEM((max(LANE, ACT_N),), jnp.int32),
            pltpu.VMEM((LANE,), jnp.float32),
            pltpu.VMEM((LANE,), jnp.float32),
            pltpu.SemaphoreType.DMA,
            pltpu.SemaphoreType.DMA,
        ],
    )(_sc_kernel)
    return k(policy_output, actions_flat)


R_TC = B - R_SC
TBR = 32
NTB = R_TC // TBR


def _tc_body(x_ref, a_ref, out_ref):
    j = pl.program_id(1)
    x = x_ref[...]
    a = a_ref[0, 0, 0, :TBR][:, None]
    m = jnp.max(x, axis=1, keepdims=True)
    d = x - m
    e = jnp.exp(d)
    s = jnp.sum(e, axis=1)
    u = jnp.sum(d * e, axis=1)
    cols = lax.broadcasted_iota(jnp.int32, (TBR, V), 1)
    xa = jnp.sum(jnp.where(cols == a, x, 0.0), axis=1)
    ln_s = jnp.log(s)
    lp = xa - m[:, 0] - ln_s
    ent = ln_s - u / s

    @pl.when(j == 0)
    def _():
        out_ref[...] = jnp.zeros_like(out_ref)

    out_ref[0, 0, :] += lp
    out_ref[0, 1, :] += ent


def _tc_rows(policy_output, actions_t4):
    return pl.pallas_call(
        _tc_body,
        grid=(NTB, H),
        in_specs=[
            pl.BlockSpec((TBR, V), lambda i, j: (R_SC // TBR + i, j)),
            pl.BlockSpec((1, 1, 1, 128), lambda i, j: (j, i, 0, 0)),
        ],
        out_specs=pl.BlockSpec((1, 2, TBR), lambda i, j: (i, 0, 0)),
        out_shape=jax.ShapeDtypeStruct((NTB, 2, TBR), jnp.float32),
    )(policy_output, actions_t4)


def kernel(policy_output, actions):
    sc = _sc_main(policy_output, actions[:R_SC].reshape(-1))
    a_tc = actions.T[:, R_SC:].reshape(H, NTB, 1, TBR)
    a_tc = jnp.pad(a_tc, ((0, 0), (0, 0), (0, 0), (0, 128 - TBR)))
    tc = _tc_rows(policy_output, a_tc)
    tc = tc.transpose(1, 0, 2).reshape(2, R_TC)
    return jnp.concatenate([sc[:, :, :RPW].reshape(2, R_SC), tc], axis=1)

# --- scband reference (transcript-rebuilt; emitter-appended) ---
"""Pipeline reference for scband-multi-discrete-sb3-43456479101059 (READ-ONLY COPY).

The authoritative reference and input builder live on the scoring server;
editing this copy changes nothing except your own understanding.
"""

import jax, jax.numpy as jnp
import numpy as np

BINS = [4096, 4096, 4096, 4096, 4096, 4096, 4096, 4096]


def setup_inputs(seed: int = 0) -> dict:
    key = jax.random.key(seed)
    k1, k2 = jax.random.split(key)
    policy_output = jax.random.normal(k1, (128, sum(BINS)), dtype=jnp.float32)
    actions = jax.random.randint(k2, (128, len(BINS)), 0, min(BINS)).astype(jnp.int32)
    return {"policy_output": policy_output, "actions": actions}


def reference(policy_output, actions):
    # Faithful translation of MultiDiscreteSB3: make_distribution(policy_output)
    # followed by the deterministic heads log_prob(actions) and entropy().
    # (sample() is stochastic; log_prob/entropy capture the same per-head
    # Categorical math: split logits, normalize, gather / -sum p*logp.)
    split_points = np.cumsum(BINS)[:-1].tolist()
    splits = jnp.split(policy_output, split_points, axis=1)
    log_probs = []
    entropies = []
    for i, logits in enumerate(splits):
        logp = jax.nn.log_softmax(logits, axis=-1)
        a = actions[:, i]
        lp = jnp.take_along_axis(logp, a[:, None], axis=1)[:, 0]
        p = jnp.exp(logp)
        ent = -jnp.sum(p * logp, axis=-1)
        log_probs.append(lp)
        entropies.append(ent)
    log_prob = jnp.stack(log_probs, axis=1).sum(axis=1)
    entropy = jnp.stack(entropies, axis=1).sum(axis=1)
    return jnp.stack([log_prob, entropy], axis=0)

if __name__ == "__main__":
    import jax
    _d = setup_inputs()
    print(jax.jit(kernel)(*tuple(_d.values())))

</pallas_src>

<mosaic_0001>
#map = affine_map<(d0, d1) -> (0, 0)>
#map1 = affine_map<(d0, d1) -> (0)>
#map2 = affine_map<(d0, d1) -> (0, 0, 0)>
module attributes {stable_mosaic.version = 14 : i64} {
  func.func @_sc_kernel(%arg0: i32, %arg1: i32, %arg2: memref<128x32768xf32, #tpu.memory_space<hbm>>, %arg3: memref<512xi32, #tpu.memory_space<hbm>>, %arg4: memref<2x32x16xf32, #tpu.memory_space<hbm>>, %arg5: memref<32768xf32, #tpu.memory_space<vmem>>, %arg6: memref<32768xf32, #tpu.memory_space<vmem>>, %arg7: memref<16xi32, #tpu.memory_space<vmem>>, %arg8: memref<16xf32, #tpu.memory_space<vmem>>, %arg9: memref<16xf32, #tpu.memory_space<vmem>>, %arg10: memref<!tpu.dma_semaphore, #tpu.memory_space<semaphore_mem>>, %arg11: memref<!tpu.dma_semaphore, #tpu.memory_space<semaphore_mem>>) attributes {dimension_semantics = [#tpu.dimension_semantics<core_parallel>, #tpu.dimension_semantics<subcore_parallel>], iteration_bounds = array<i64: 2, 16>, scalar_prefetch = 0 : i64, scratch_operands = 7 : i64, tpu.core_type = #tpu.core_type<sc_vector_subcore>, window_params = [{transform_indices = #map}, {transform_indices = #map1}, {transform_indices = #map2}]} {
    %mul3A = arith.constant 2 : i32
    %mul3A_0 = arith.muli %arg1, %mul3A : i32
    %add3A = arith.addi %mul3A_0, %arg0 : i32
    %mul3A_1 = arith.constant 2 : i32
    %mul3A_2 = arith.muli %add3A, %mul3A_1 : i32
    %iota3A = tpu.iota {dimensions = array<i32: 0>} : vector<16xi32>
    %mul3A_3 = arith.constant 16 : i32
    %mul3A_4 = arith.muli %add3A, %mul3A_3 : i32
    "tpu.region"() ({
      %run_scoped3A_434 = tpu.sem_alloc : memref<!tpu.dma_semaphore, #tpu.memory_space<semaphore_mem>>
      %dma_start3A_435 = arith.constant 0 : i32
      %dma_start3A_436 = tpu.memref_slice %arg7[%dma_start3A_435] : memref<16xi32, #tpu.memory_space<vmem>> -> memref<16xi32, #tpu.memory_space<vmem>>
      %dma_start3A_437 = tpu.memref_slice %arg3[%mul3A_4] : memref<512xi32, #tpu.memory_space<hbm>> -> memref<16xi32, #tpu.memory_space<hbm>>
      %dma_start3A_438 = arith.constant 0 : i32
      %dma_start3A_439 = tpu.memref_slice %arg7[%dma_start3A_438] : memref<16xi32, #tpu.memory_space<vmem>> -> memref<16xi32, #tpu.memory_space<vmem>>
      %dma_start3A_440 = tpu.memref_slice %arg3[%mul3A_4] : memref<512xi32, #tpu.memory_space<hbm>> -> memref<16xi32, #tpu.memory_space<hbm>>
      tpu.enqueue_dma source(%dma_start3A_440 : memref<16xi32, #tpu.memory_space<hbm>>) target(%dma_start3A_439 : memref<16xi32, #tpu.memory_space<vmem>>) target_semaphore(%run_scoped3A_434 : memref<!tpu.dma_semaphore, #tpu.memory_space<semaphore_mem>>)
      %dma_wait3A_441 = arith.constant 0 : i32
      %dma_wait3A_442 = tpu.memref_slice %arg7[%dma_wait3A_441] : memref<16xi32, #tpu.memory_space<vmem>> -> memref<16xi32, #tpu.memory_space<vmem>>
      %dma_wait3A_443 = tpu.memref_slice %arg3[%mul3A_4] : memref<512xi32, #tpu.memory_space<hbm>> -> memref<16xi32, #tpu.memory_space<hbm>>
      %dma_wait3A_444 = arith.constant 0 : i32
      %dma_wait3A_445 = tpu.memref_slice %arg7[%dma_wait3A_444] : memref<16xi32, #tpu.memory_space<vmem>> -> memref<16xi32, #tpu.memory_space<vmem>>
      %dma_wait3A_446 = tpu.memref_slice %arg3[%mul3A_4] : memref<512xi32, #tpu.memory_space<hbm>> -> memref<16xi32, #tpu.memory_space<hbm>>
      tpu.wait_dma2 semaphore(%run_scoped3A_434 : memref<!tpu.dma_semaphore, #tpu.memory_space<semaphore_mem>>) src(%dma_wait3A_446 : memref<16xi32, #tpu.memory_space<hbm>>) dst(%dma_wait3A_445 : memref<16xi32, #tpu.memory_space<vmem>>)
      tpu.yield
    }) : () -> ()
    %add3A_5 = arith.constant 0 : i32
    %add3A_6 = arith.addi %mul3A_2, %add3A_5 : i32
    %dma_start3A = arith.constant 0 : i32
    %dma_start3A_7 = tpu.memref_slice %arg2[%add3A_6, %dma_start3A] : memref<128x32768xf32, #tpu.memory_space<hbm>> -> memref<1x32768xf32, #tpu.memory_space<hbm>>
    %dma_start3A_8 = tpu.memref_squeeze %dma_start3A_7 : memref<1x32768xf32, #tpu.memory_space<hbm>> -> memref<32768xf32, #tpu.memory_space<hbm>>
    %dma_start3A_9 = arith.constant 0 : i32
    %dma_start3A_10 = tpu.memref_slice %arg2[%add3A_6, %dma_start3A_9] : memref<128x32768xf32, #tpu.memory_space<hbm>> -> memref<1x32768xf32, #tpu.memory_space<hbm>>
    %dma_start3A_11 = tpu.memref_squeeze %dma_start3A_10 : memref<1x32768xf32, #tpu.memory_space<hbm>> -> memref<32768xf32, #tpu.memory_space<hbm>>
    tpu.enqueue_dma source(%dma_start3A_11 : memref<32768xf32, #tpu.memory_space<hbm>>) target(%arg5 : memref<32768xf32, #tpu.memory_space<vmem>>) target_semaphore(%arg10 : memref<!tpu.dma_semaphore, #tpu.memory_space<semaphore_mem>>)
    %add3A_12 = arith.constant 1 : i32
    %add3A_13 = arith.addi %mul3A_2, %add3A_12 : i32
    %dma_start3A_14 = arith.constant 0 : i32
    %dma_start3A_15 = tpu.memref_slice %arg2[%add3A_13, %dma_start3A_14] : memref<128x32768xf32, #tpu.memory_space<hbm>> -> memref<1x32768xf32, #tpu.memory_space<hbm>>
    %dma_start3A_16 = tpu.memref_squeeze %dma_start3A_15 : memref<1x32768xf32, #tpu.memory_space<hbm>> -> memref<32768xf32, #tpu.memory_space<hbm>>
    %dma_start3A_17 = arith.constant 0 : i32
    %dma_start3A_18 = tpu.memref_slice %arg2[%add3A_13, %dma_start3A_17] : memref<128x32768xf32, #tpu.memory_space<hbm>> -> memref<1x32768xf32, #tpu.memory_space<hbm>>
    %dma_start3A_19 = tpu.memref_squeeze %dma_start3A_18 : memref<1x32768xf32, #tpu.memory_space<hbm>> -> memref<32768xf32, #tpu.memory_space<hbm>>
    tpu.enqueue_dma source(%dma_start3A_19 : memref<32768xf32, #tpu.memory_space<hbm>>) target(%arg6 : memref<32768xf32, #tpu.memory_space<vmem>>) target_semaphore(%arg11 : memref<!tpu.dma_semaphore, #tpu.memory_space<semaphore_mem>>)
    %broadcast_in_dim3A = arith.constant 0.000000e+00 : f32
    %broadcast_in_dim3A_20 = vector.broadcast %broadcast_in_dim3A : f32 to vector<16xf32>
    %broadcast_in_dim3A_21 = arith.constant 0.000000e+00 : f32
    %broadcast_in_dim3A_22 = vector.broadcast %broadcast_in_dim3A_21 : f32 to vector<16xf32>
    %and3A = arith.constant 1 : i32
    %and3A_23 = vector.broadcast %and3A : i32 to vector<16xi32>
    %and3A_24 = arith.andi %iota3A, %and3A_23 : vector<16xi32>
    %mul3A_25 = arith.constant 8 : i32
    %mul3A_26 = vector.broadcast %mul3A_25 : i32 to vector<16xi32>
    %mul3A_27 = arith.muli %and3A_24, %mul3A_26 : vector<16xi32>
    %broadcast_in_dim3A_28 = arith.constant 0.000000e+00 : f32
    %broadcast_in_dim3A_29 = vector.broadcast %broadcast_in_dim3A_28 : f32 to vector<16xf32>
    %get3A = arith.constant 0 : index
    %get3A_30 = tpu.vector_load %arg7[%get3A] {strides = array<i32>} : memref<16xi32, #tpu.memory_space<vmem>>, vector<16xi32>,
    %get3A_31 = vector.shape_cast %get3A_30 : vector<16xi32> to vector<16xi32>
    %dma_wait3A = arith.constant 0 : i32
    %dma_wait3A_32 = tpu.memref_slice %arg2[%add3A_6, %dma_wait3A] : memref<128x32768xf32, #tpu.memory_space<hbm>> -> memref<1x32768xf32, #tpu.memory_space<hbm>>
    %dma_wait3A_33 = tpu.memref_squeeze %dma_wait3A_32 : memref<1x32768xf32, #tpu.memory_space<hbm>> -> memref<32768xf32, #tpu.memory_space<hbm>>
    %dma_wait3A_34 = arith.constant 0 : i32
    %dma_wait3A_35 = tpu.memref_slice %arg2[%add3A_6, %dma_wait3A_34] : memref<128x32768xf32, #tpu.memory_space<hbm>> -> memref<1x32768xf32, #tpu.memory_space<hbm>>
    %dma_wait3A_36 = tpu.memref_squeeze %dma_wait3A_35 : memref<1x32768xf32, #tpu.memory_space<hbm>> -> memref<32768xf32, #tpu.memory_space<hbm>>
    tpu.wait_dma2 semaphore(%arg10 : memref<!tpu.dma_semaphore, #tpu.memory_space<semaphore_mem>>) src(%dma_wait3A_36 : memref<32768xf32, #tpu.memory_space<hbm>>) dst(%arg5 : memref<32768xf32, #tpu.memory_space<vmem>>)
    %broadcast_in_dim3A_37 = arith.constant 0.000000e+00 : f32
    %broadcast_in_dim3A_38 = vector.broadcast %broadcast_in_dim3A_37 : f32 to vector<16xf32>
    %broadcast_in_dim3A_39 = arith.constant 0xFF800000 : f32
    %broadcast_in_dim3A_40 = vector.broadcast %broadcast_in_dim3A_39 : f32 to vector<16xf32>
    %broadcast_in_dim3A_41 = arith.constant 0xFF800000 : f32
    %broadcast_in_dim3A_42 = vector.broadcast %broadcast_in_dim3A_41 : f32 to vector<16xf32>
    %broadcast_in_dim3A_43 = arith.constant 0xFF800000 : f32
    %broadcast_in_dim3A_44 = vector.broadcast %broadcast_in_dim3A_43 : f32 to vector<16xf32>
    %broadcast_in_dim3A_45 = arith.constant 0xFF800000 : f32
    %broadcast_in_dim3A_46 = vector.broadcast %broadcast_in_dim3A_45 : f32 to vector<16xf32>
    %broadcast_in_dim3A_47 = arith.constant 0 : i32
    %broadcast_in_dim3A_48 = vector.broadcast %broadcast_in_dim3A_47 : i32 to vector<16xi32>
    %broadcast_in_dim3A_49 = vector.shape_cast %broadcast_in_dim3A_48 : vector<16xi32> to vector<16x1xi32>
    %gather3A = vector.shape_cast %broadcast_in_dim3A_49 : vector<16x1xi32> to vector<16xi32>
    %gather3A_50 = tpu.dynamic_gather %get3A_31[%gather3A] in [0] : vector<16xi32>, vector<16xi32> -> vector<16xi32>
    %scan3A = arith.constant 0 : i32
    %scan3A_51 = arith.constant 64 : i32
    %scan3A_52 = arith.addi %scan3A, %scan3A_51 : i32
    %scan3A_53 = arith.constant 1 : i32
    %scan3A_54:6 = scf.for %scan3A_434 = %scan3A to %scan3A_52 step %scan3A_53 iter_args(%scan3A_435 = %broadcast_in_dim3A_40, %scan3A_436 = %broadcast_in_dim3A_42, %scan3A_437 = %broadcast_in_dim3A_44, %scan3A_438 = %broadcast_in_dim3A_46, %scan3A_439 = %broadcast_in_dim3A_38, %scan3A_440 = %iota3A) -> (vector<16xf32>, vector<16xf32>, vector<16xf32>, vector<16xf32>, vector<16xf32>, vector<16xi32>)  : i32 {
      %mul3A_441 = arith.constant 64 : i32
      %mul3A_442 = arith.muli %scan3A_434, %mul3A_441 : i32
      %add3A_443 = arith.constant 0 : i32
      %add3A_444 = arith.addi %mul3A_442, %add3A_443 : i32
      %get3A_445 = arith.index_cast %add3A_444 : i32 to index
      %get3A_446 = tpu.vector_load %arg5[%get3A_445] {strides = array<i32>} : memref<32768xf32, #tpu.memory_space<vmem>>, vector<16xf32>,
      %get3A_447 = vector.shape_cast %get3A_446 : vector<16xf32> to vector<16xf32>
      %add3A_448 = arith.constant 0 : i32
      %add3A_449 = vector.broadcast %add3A_448 : i32 to vector<16xi32>
      %add3A_450 = arith.addi %scan3A_440, %add3A_449 : vector<16xi32>
      %eq3A_451 = arith.cmpi eq, %add3A_450, %gather3A_50 : vector<16xi32>
      %select_n3A_452 = arith.select %eq3A_451, %get3A_447, %scan3A_439 : vector<16xi1>, vector<16xf32>
      %max3A_453 = arith.maximumf %scan3A_435, %get3A_447 : vector<16xf32>
      %add3A_454 = arith.constant 16 : i32
      %add3A_455 = arith.addi %mul3A_442, %add3A_454 : i32
      %get3A_456 = arith.index_cast %add3A_455 : i32 to index
      %get3A_457 = tpu.vector_load %arg5[%get3A_456] {strides = array<i32>} : memref<32768xf32, #tpu.memory_space<vmem>>, vector<16xf32>,
      %get3A_458 = vector.shape_cast %get3A_457 : vector<16xf32> to vector<16xf32>
      %add3A_459 = arith.constant 16 : i32
      %add3A_460 = vector.broadcast %add3A_459 : i32 to vector<16xi32>
      %add3A_461 = arith.addi %scan3A_440, %add3A_460 : vector<16xi32>
      %eq3A_462 = arith.cmpi eq, %add3A_461, %gather3A_50 : vector<16xi32>
      %select_n3A_463 = arith.select %eq3A_462, %get3A_458, %select_n3A_452 : vector<16xi1>, vector<16xf32>
      %max3A_464 = arith.maximumf %scan3A_436, %get3A_458 : vector<16xf32>
      %add3A_465 = arith.constant 32 : i32
      %add3A_466 = arith.addi %mul3A_442, %add3A_465 : i32
      %get3A_467 = arith.index_cast %add3A_466 : i32 to index
      %get3A_468 = tpu.vector_load %arg5[%get3A_467] {strides = array<i32>} : memref<32768xf32, #tpu.memory_space<vmem>>, vector<16xf32>,
      %get3A_469 = vector.shape_cast %get3A_468 : vector<16xf32> to vector<16xf32>
      %add3A_470 = arith.constant 32 : i32
      %add3A_471 = vector.broadcast %add3A_470 : i32 to vector<16xi32>
      %add3A_472 = arith.addi %scan3A_440, %add3A_471 : vector<16xi32>
      %eq3A_473 = arith.cmpi eq, %add3A_472, %gather3A_50 : vector<16xi32>
      %select_n3A_474 = arith.select %eq3A_473, %get3A_469, %select_n3A_463 : vector<16xi1>, vector<16xf32>
      %max3A_475 = arith.maximumf %scan3A_437, %get3A_469 : vector<16xf32>
      %add3A_476 = arith.constant 48 : i32
      %add3A_477 = arith.addi %mul3A_442, %add3A_476 : i32
      %get3A_478 = arith.index_cast %add3A_477 : i32 to index
      %get3A_479 = tpu.vector_load %arg5[%get3A_478] {strides = array<i32>} : memref<32768xf32, #tpu.memory_space<vmem>>, vector<16xf32>,
      %get3A_480 = vector.shape_cast %get3A_479 : vector<16xf32> to vector<16xf32>
      %add3A_481 = arith.constant 48 : i32
      %add3A_482 = vector.broadcast %add3A_481 : i32 to vector<16xi32>
      %add3A_483 = arith.addi %scan3A_440, %add3A_482 : vector<16xi32>
      %eq3A_484 = arith.cmpi eq, %add3A_483, %gather3A_50 : vector<16xi32>
      %select_n3A_485 = arith.select %eq3A_484, %get3A_480, %select_n3A_474 : vector<16xi1>, vector<16xf32>
      %max3A_486 = arith.maximumf %scan3A_438, %get3A_480 : vector<16xf32>
      %add3A_487 = arith.constant 64 : i32
      %add3A_488 = vector.broadcast %add3A_487 : i32 to vector<16xi32>
      %add3A_489 = arith.addi %scan3A_440, %add3A_488 : vector<16xi32>
      scf.yield %max3A_453, %max3A_464, %max3A_475, %max3A_486, %select_n3A_485, %add3A_489 : vector<16xf32>, vector<16xf32>, vector<16xf32>, vector<16xf32>, vector<16xf32>, vector<16xi32>
    }
    %scan3A_55 = arith.constant 64 : i32
    %max3A = arith.maximumf %scan3A_54#0, %scan3A_54#1 : vector<16xf32>
    %max3A_56 = arith.maximumf %scan3A_54#2, %scan3A_54#3 : vector<16xf32>
    %max3A_57 = arith.maximumf %max3A, %max3A_56 : vector<16xf32>
    %xor3A = arith.constant 8 : i32
    %xor3A_58 = vector.broadcast %xor3A : i32 to vector<16xi32>
    %xor3A_59 = arith.xori %iota3A, %xor3A_58 : vector<16xi32>
    %broadcast_in_dim3A_60 = vector.shape_cast %xor3A_59 : vector<16xi32> to vector<16x1xi32>
    %gather3A_61 = vector.shape_cast %broadcast_in_dim3A_60 : vector<16x1xi32> to vector<16xi32>
    %gather3A_62 = tpu.dynamic_gather %max3A_57[%gather3A_61] in [0] : vector<16xf32>, vector<16xi32> -> vector<16xf32>
    %max3A_63 = arith.maximumf %max3A_57, %gather3A_62 : vector<16xf32>
    %xor3A_64 = arith.constant 4 : i32
    %xor3A_65 = vector.broadcast %xor3A_64 : i32 to vector<16xi32>
    %xor3A_66 = arith.xori %iota3A, %xor3A_65 : vector<16xi32>
    %broadcast_in_dim3A_67 = vector.shape_cast %xor3A_66 : vector<16xi32> to vector<16x1xi32>
    %gather3A_68 = vector.shape_cast %broadcast_in_dim3A_67 : vector<16x1xi32> to vector<16xi32>
    %gather3A_69 = tpu.dynamic_gather %max3A_63[%gather3A_68] in [0] : vector<16xf32>, vector<16xi32> -> vector<16xf32>
    %max3A_70 = arith.maximumf %max3A_63, %gather3A_69 : vector<16xf32>
    %xor3A_71 = arith.constant 2 : i32
    %xor3A_72 = vector.broadcast %xor3A_71 : i32 to vector<16xi32>
    %xor3A_73 = arith.xori %iota3A, %xor3A_72 : vector<16xi32>
    %broadcast_in_dim3A_74 = vector.shape_cast %xor3A_73 : vector<16xi32> to vector<16x1xi32>
    %gather3A_75 = vector.shape_cast %broadcast_in_dim3A_74 : vector<16x1xi32> to vector<16xi32>
    %gather3A_76 = tpu.dynamic_gather %max3A_70[%gather3A_75] in [0] : vector<16xf32>, vector<16xi32> -> vector<16xf32>
    %max3A_77 = arith.maximumf %max3A_70, %gather3A_76 : vector<16xf32>
    %xor3A_78 = arith.constant 1 : i32
    %xor3A_79 = vector.broadcast %xor3A_78 : i32 to vector<16xi32>
    %xor3A_80 = arith.xori %iota3A, %xor3A_79 : vector<16xi32>
    %broadcast_in_dim3A_81 = vector.shape_cast %xor3A_80 : vector<16xi32> to vector<16x1xi32>
    %gather3A_82 = vector.shape_cast %broadcast_in_dim3A_81 : vector<16x1xi32> to vector<16xi32>
    %gather3A_83 = tpu.dynamic_gather %max3A_77[%gather3A_82] in [0] : vector<16xf32>, vector<16xi32> -> vector<16xf32>
    %max3A_84 = arith.maximumf %max3A_77, %gather3A_83 : vector<16xf32>
    %and3A_85 = arith.constant 15 : i32
    %and3A_86 = vector.broadcast %and3A_85 : i32 to vector<16xi32>
    %and3A_87 = arith.andi %gather3A_50, %and3A_86 : vector<16xi32>
    %broadcast_in_dim3A_88 = vector.shape_cast %and3A_87 : vector<16xi32> to vector<16x1xi32>
    %gather3A_89 = vector.shape_cast %broadcast_in_dim3A_88 : vector<16x1xi32> to vector<16xi32>
    %gather3A_90 = tpu.dynamic_gather %scan3A_54#4[%gather3A_89] in [0] : vector<16xf32>, vector<16xi32> -> vector<16xf32>
    %scan3A_91 = arith.constant 1 : i32
    %scan3A_92 = arith.constant 7 : i32
    %scan3A_93 = arith.addi %scan3A_91, %scan3A_92 : i32
    %scan3A_94 = arith.constant 1 : i32
    %scan3A_95:6 = scf.for %scan3A_434 = %scan3A_91 to %scan3A_93 step %scan3A_94 iter_args(%scan3A_435 = %broadcast_in_dim3A_29, %scan3A_436 = %broadcast_in_dim3A_29, %scan3A_437 = %broadcast_in_dim3A_29, %scan3A_438 = %broadcast_in_dim3A_29, %scan3A_439 = %max3A_84, %scan3A_440 = %gather3A_90) -> (vector<16xf32>, vector<16xf32>, vector<16xf32>, vector<16xf32>, vector<16xf32>, vector<16xf32>)  : i32 {
      %add3A_441 = arith.constant 0 : i32
      %add3A_442 = arith.addi %add3A_441, %scan3A_434 : i32
      %broadcast_in_dim3A_443 = vector.broadcast %add3A_442 : i32 to vector<16xi32>
      %broadcast_in_dim3A_444 = vector.shape_cast %broadcast_in_dim3A_443 : vector<16xi32> to vector<16x1xi32>
      %gather3A_445 = vector.shape_cast %broadcast_in_dim3A_444 : vector<16x1xi32> to vector<16xi32>
      %gather3A_446 = tpu.dynamic_gather %get3A_31[%gather3A_445] in [0] : vector<16xi32>, vector<16xi32> -> vector<16xi32>
      %scan3A_447 = arith.constant 0 : i32
      %scan3A_448 = arith.constant 64 : i32
      %scan3A_449 = arith.addi %scan3A_447, %scan3A_448 : i32
      %scan3A_450 = arith.constant 1 : i32
      %scan3A_451:14 = scf.for %scan3A_562 = %scan3A_447 to %scan3A_449 step %scan3A_450 iter_args(%scan3A_563 = %broadcast_in_dim3A_40, %scan3A_564 = %broadcast_in_dim3A_42, %scan3A_565 = %broadcast_in_dim3A_44, %scan3A_566 = %broadcast_in_dim3A_46, %scan3A_567 = %broadcast_in_dim3A_38, %scan3A_568 = %iota3A, %scan3A_569 = %broadcast_in_dim3A_38, %scan3A_570 = %broadcast_in_dim3A_38, %scan3A_571 = %broadcast_in_dim3A_38, %scan3A_572 = %broadcast_in_dim3A_38, %scan3A_573 = %broadcast_in_dim3A_38, %scan3A_574 = %broadcast_in_dim3A_38, %scan3A_575 = %broadcast_in_dim3A_38, %scan3A_576 = %broadcast_in_dim3A_38) -> (vector<16xf32>, vector<16xf32>, vector<16xf32>, vector<16xf32>, vector<16xf32>, vector<16xi32>, vector<16xf32>, vector<16xf32>, vector<16xf32>, vector<16xf32>, vector<16xf32>, vector<16xf32>, vector<16xf32>, vector<16xf32>)  : i32 {
        %mul3A_577 = arith.constant 4096 : i32
        %mul3A_578 = arith.muli %scan3A_434, %mul3A_577 : i32
        %mul3A_579 = arith.constant 64 : i32
        %mul3A_580 = arith.muli %scan3A_562, %mul3A_579 : i32
        %add3A_581 = arith.addi %mul3A_578, %mul3A_580 : i32
        %sub3A_582 = arith.constant 4096 : i32
        %sub3A_583 = arith.subi %add3A_581, %sub3A_582 : i32
        %add3A_584 = arith.constant 0 : i32
        %add3A_585 = arith.addi %sub3A_583, %add3A_584 : i32
        %get3A_586 = arith.index_cast %add3A_585 : i32 to index
        %get3A_587 = tpu.vector_load %arg5[%get3A_586] {strides = array<i32>} : memref<32768xf32, #tpu.memory_space<vmem>>, vector<16xf32>,
        %get3A_588 = vector.shape_cast %get3A_587 : vector<16xf32> to vector<16xf32>
        %sub3A_589 = arith.subf %get3A_588, %scan3A_439 : vector<16xf32>
        %exp3A_590 = math.exp %sub3A_589 : vector<16xf32>
        %add3A_591 = arith.addf %scan3A_569, %exp3A_590 : vector<16xf32>
        %mul3A_592 = arith.mulf %sub3A_589, %exp3A_590 : vector<16xf32>
        %add3A_593 = arith.addf %scan3A_573, %mul3A_592 : vector<16xf32>
        %add3A_594 = arith.constant 0 : i32
        %add3A_595 = arith.addi %add3A_581, %add3A_594 : i32
        %get3A_596 = arith.index_cast %add3A_595 : i32 to index
        %get3A_597 = tpu.vector_load %arg5[%get3A_596] {strides = array<i32>} : memref<32768xf32, #tpu.memory_space<vmem>>, vector<16xf32>,
        %get3A_598 = vector.shape_cast %get3A_597 : vector<16xf32> to vector<16xf32>
        %add3A_599 = arith.constant 0 : i32
        %add3A_600 = vector.broadcast %add3A_599 : i32 to vector<16xi32>
        %add3A_601 = arith.addi %scan3A_568, %add3A_600 : vector<16xi32>
        %eq3A_602 = arith.cmpi eq, %add3A_601, %gather3A_446 : vector<16xi32>
        %select_n3A_603 = arith.select %eq3A_602, %get3A_598, %scan3A_567 : vector<16xi1>, vector<16xf32>
        %max3A_604 = arith.maximumf %scan3A_563, %get3A_598 : vector<16xf32>
        %add3A_605 = arith.constant 16 : i32
        %add3A_606 = arith.addi %sub3A_583, %add3A_605 : i32
        %get3A_607 = arith.index_cast %add3A_606 : i32 to index
        %get3A_608 = tpu.vector_load %arg5[%get3A_607] {strides = array<i32>} : memref<32768xf32, #tpu.memory_space<vmem>>, vector<16xf32>,
        %get3A_609 = vector.shape_cast %get3A_608 : vector<16xf32> to vector<16xf32>
        %sub3A_610 = arith.subf %get3A_609, %scan3A_439 : vector<16xf32>
        %exp3A_611 = math.exp %sub3A_610 : vector<16xf32>
        %add3A_612 = arith.addf %scan3A_570, %exp3A_611 : vector<16xf32>
        %mul3A_613 = arith.mulf %sub3A_610, %exp3A_611 : vector<16xf32>
        %add3A_614 = arith.addf %scan3A_574, %mul3A_613 : vector<16xf32>
        %add3A_615 = arith.constant 16 : i32
        %add3A_616 = arith.addi %add3A_581, %add3A_615 : i32
        %get3A_617 = arith.index_cast %add3A_616 : i32 to index
        %get3A_618 = tpu.vector_load %arg5[%get3A_617] {strides = array<i32>} : memref<32768xf32, #tpu.memory_space<vmem>>, vector<16xf32>,
        %get3A_619 = vector.shape_cast %get3A_618 : vector<16xf32> to vector<16xf32>
        %add3A_620 = arith.constant 16 : i32
        %add3A_621 = vector.broadcast %add3A_620 : i32 to vector<16xi32>
        %add3A_622 = arith.addi %scan3A_568, %add3A_621 : vector<16xi32>
        %eq3A_623 = arith.cmpi eq, %add3A_622, %gather3A_446 : vector<16xi32>
        %select_n3A_624 = arith.select %eq3A_623, %get3A_619, %select_n3A_603 : vector<16xi1>, vector<16xf32>
        %max3A_625 = arith.maximumf %scan3A_564, %get3A_619 : vector<16xf32>
        %add3A_626 = arith.constant 32 : i32
        %add3A_627 = arith.addi %sub3A_583, %add3A_626 : i32
        %get3A_628 = arith.index_cast %add3A_627 : i32 to index
        %get3A_629 = tpu.vector_load %arg5[%get3A_628] {strides = array<i32>} : memref<32768xf32, #tpu.memory_space<vmem>>, vector<16xf32>,
        %get3A_630 = vector.shape_cast %get3A_629 : vector<16xf32> to vector<16xf32>
        %sub3A_631 = arith.subf %get3A_630, %scan3A_439 : vector<16xf32>
        %exp3A_632 = math.exp %sub3A_631 : vector<16xf32>
        %add3A_633 = arith.addf %scan3A_571, %exp3A_632 : vector<16xf32>
        %mul3A_634 = arith.mulf %sub3A_631, %exp3A_632 : vector<16xf32>
        %add3A_635 = arith.addf %scan3A_575, %mul3A_634 : vector<16xf32>
        %add3A_636 = arith.constant 32 : i32
        %add3A_637 = arith.addi %add3A_581, %add3A_636 : i32
        %get3A_638 = arith.index_cast %add3A_637 : i32 to index
        %get3A_639 = tpu.vector_load %arg5[%get3A_638] {strides = array<i32>} : memref<32768xf32, #tpu.memory_space<vmem>>, vector<16xf32>,
        %get3A_640 = vector.shape_cast %get3A_639 : vector<16xf32> to vector<16xf32>
        %add3A_641 = arith.constant 32 : i32
        %add3A_642 = vector.broadcast %add3A_641 : i32 to vector<16xi32>
        %add3A_643 = arith.addi %scan3A_568, %add3A_642 : vector<16xi32>
        %eq3A_644 = arith.cmpi eq, %add3A_643, %gather3A_446 : vector<16xi32>
        %select_n3A_645 = arith.select %eq3A_644, %get3A_640, %select_n3A_624 : vector<16xi1>, vector<16xf32>
        %max3A_646 = arith.maximumf %scan3A_565, %get3A_640 : vector<16xf32>
        %add3A_647 = arith.constant 48 : i32
        %add3A_648 = arith.addi %sub3A_583, %add3A_647 : i32
        %get3A_649 = arith.index_cast %add3A_648 : i32 to index
        %get3A_650 = tpu.vector_load %arg5[%get3A_649] {strides = array<i32>} : memref<32768xf32, #tpu.memory_space<vmem>>, vector<16xf32>,
        %get3A_651 = vector.shape_cast %get3A_650 : vector<16xf32> to vector<16xf32>
        %sub3A_652 = arith.subf %get3A_651, %scan3A_439 : vector<16xf32>
        %exp3A_653 = math.exp %sub3A_652 : vector<16xf32>
        %add3A_654 = arith.addf %scan3A_572, %exp3A_653 : vector<16xf32>
        %mul3A_655 = arith.mulf %sub3A_652, %exp3A_653 : vector<16xf32>
        %add3A_656 = arith.addf %scan3A_576, %mul3A_655 : vector<16xf32>
        %add3A_657 = arith.constant 48 : i32
        %add3A_658 = arith.addi %add3A_581, %add3A_657 : i32
        %get3A_659 = arith.index_cast %add3A_658 : i32 to index
        %get3A_660 = tpu.vector_load %arg5[%get3A_659] {strides = array<i32>} : memref<32768xf32, #tpu.memory_space<vmem>>, vector<16xf32>,
        %get3A_661 = vector.shape_cast %get3A_660 : vector<16xf32> to vector<16xf32>
        %add3A_662 = arith.constant 48 : i32
        %add3A_663 = vector.broadcast %add3A_662 : i32 to vector<16xi32>
        %add3A_664 = arith.addi %scan3A_568, %add3A_663 : vector<16xi32>
        %eq3A_665 = arith.cmpi eq, %add3A_664, %gather3A_446 : vector<16xi32>
        %select_n3A_666 = arith.select %eq3A_665, %get3A_661, %select_n3A_645 : vector<16xi1>, vector<16xf32>
        %max3A_667 = arith.maximumf %scan3A_566, %get3A_661 : vector<16xf32>
        %add3A_668 = arith.constant 64 : i32
        %add3A_669 = vector.broadcast %add3A_668 : i32 to vector<16xi32>
        %add3A_670 = arith.addi %scan3A_568, %add3A_669 : vector<16xi32>
        scf.yield %max3A_604, %max3A_625, %max3A_646, %max3A_667, %select_n3A_666, %add3A_670, %add3A_591, %add3A_612, %add3A_633, %add3A_654, %add3A_593, %add3A_614, %add3A_635, %add3A_656 : vector<16xf32>, vector<16xf32>, vector<16xf32>, vector<16xf32>, vector<16xf32>, vector<16xi32>, vector<16xf32>, vector<16xf32>, vector<16xf32>, vector<16xf32>, vector<16xf32>, vector<16xf32>, vector<16xf32>, vector<16xf32>
      }
      %scan3A_452 = arith.constant 64 : i32
      %add3A_453 = arith.addf %scan3A_451#6, %scan3A_451#7 : vector<16xf32>
      %add3A_454 = arith.addf %scan3A_451#8, %scan3A_451#9 : vector<16xf32>
      %add3A_455 = arith.addf %add3A_453, %add3A_454 : vector<16xf32>
      %xor3A_456 = arith.constant 8 : i32
      %xor3A_457 = vector.broadcast %xor3A_456 : i32 to vector<16xi32>
      %xor3A_458 = arith.xori %iota3A, %xor3A_457 : vector<16xi32>
      %broadcast_in_dim3A_459 = vector.shape_cast %xor3A_458 : vector<16xi32> to vector<16x1xi32>
      %gather3A_460 = vector.shape_cast %broadcast_in_dim3A_459 : vector<16x1xi32> to vector<16xi32>
      %gather3A_461 = tpu.dynamic_gather %add3A_455[%gather3A_460] in [0] : vector<16xf32>, vector<16xi32> -> vector<16xf32>
      %add3A_462 = arith.addf %add3A_455, %gather3A_461 : vector<16xf32>
      %xor3A_463 = arith.constant 4 : i32
      %xor3A_464 = vector.broadcast %xor3A_463 : i32 to vector<16xi32>
      %xor3A_465 = arith.xori %iota3A, %xor3A_464 : vector<16xi32>
      %broadcast_in_dim3A_466 = vector.shape_cast %xor3A_465 : vector<16xi32> to vector<16x1xi32>
      %gather3A_467 = vector.shape_cast %broadcast_in_dim3A_466 : vector<16x1xi32> to vector<16xi32>
      %gather3A_468 = tpu.dynamic_gather %add3A_462[%gather3A_467] in [0] : vector<16xf32>, vector<16xi32> -> vector<16xf32>
      %add3A_469 = arith.addf %add3A_462, %gather3A_468 : vector<16xf32>
      %xor3A_470 = arith.constant 2 : i32
      %xor3A_471 = vector.broadcast %xor3A_470 : i32 to vector<16xi32>
      %xor3A_472 = arith.xori %iota3A, %xor3A_471 : vector<16xi32>
      %broadcast_in_dim3A_473 = vector.shape_cast %xor3A_472 : vector<16xi32> to vector<16x1xi32>
      %gather3A_474 = vector.shape_cast %broadcast_in_dim3A_473 : vector<16x1xi32> to vector<16xi32>
      %gather3A_475 = tpu.dynamic_gather %add3A_469[%gather3A_474] in [0] : vector<16xf32>, vector<16xi32> -> vector<16xf32>
      %add3A_476 = arith.addf %add3A_469, %gather3A_475 : vector<16xf32>
      %xor3A_477 = arith.constant 1 : i32
      %xor3A_478 = vector.broadcast %xor3A_477 : i32 to vector<16xi32>
      %xor3A_479 = arith.xori %iota3A, %xor3A_478 : vector<16xi32>
      %broadcast_in_dim3A_480 = vector.shape_cast %xor3A_479 : vector<16xi32> to vector<16x1xi32>
      %gather3A_481 = vector.shape_cast %broadcast_in_dim3A_480 : vector<16x1xi32> to vector<16xi32>
      %gather3A_482 = tpu.dynamic_gather %add3A_476[%gather3A_481] in [0] : vector<16xf32>, vector<16xi32> -> vector<16xf32>
      %add3A_483 = arith.addf %add3A_476, %gather3A_482 : vector<16xf32>
      %add3A_484 = arith.addf %scan3A_451#10, %scan3A_451#11 : vector<16xf32>
      %add3A_485 = arith.addf %scan3A_451#12, %scan3A_451#13 : vector<16xf32>
      %add3A_486 = arith.addf %add3A_484, %add3A_485 : vector<16xf32>
      %xor3A_487 = arith.constant 8 : i32
      %xor3A_488 = vector.broadcast %xor3A_487 : i32 to vector<16xi32>
      %xor3A_489 = arith.xori %iota3A, %xor3A_488 : vector<16xi32>
      %broadcast_in_dim3A_490 = vector.shape_cast %xor3A_489 : vector<16xi32> to vector<16x1xi32>
      %gather3A_491 = vector.shape_cast %broadcast_in_dim3A_490 : vector<16x1xi32> to vector<16xi32>
      %gather3A_492 = tpu.dynamic_gather %add3A_486[%gather3A_491] in [0] : vector<16xf32>, vector<16xi32> -> vector<16xf32>
      %add3A_493 = arith.addf %add3A_486, %gather3A_492 : vector<16xf32>
      %xor3A_494 = arith.constant 4 : i32
      %xor3A_495 = vector.broadcast %xor3A_494 : i32 to vector<16xi32>
      %xor3A_496 = arith.xori %iota3A, %xor3A_495 : vector<16xi32>
      %broadcast_in_dim3A_497 = vector.shape_cast %xor3A_496 : vector<16xi32> to vector<16x1xi32>
      %gather3A_498 = vector.shape_cast %broadcast_in_dim3A_497 : vector<16x1xi32> to vector<16xi32>
      %gather3A_499 = tpu.dynamic_gather %add3A_493[%gather3A_498] in [0] : vector<16xf32>, vector<16xi32> -> vector<16xf32>
      %add3A_500 = arith.addf %add3A_493, %gather3A_499 : vector<16xf32>
      %xor3A_501 = arith.constant 2 : i32
      %xor3A_502 = vector.broadcast %xor3A_501 : i32 to vector<16xi32>
      %xor3A_503 = arith.xori %iota3A, %xor3A_502 : vector<16xi32>
      %broadcast_in_dim3A_504 = vector.shape_cast %xor3A_503 : vector<16xi32> to vector<16x1xi32>
      %gather3A_505 = vector.shape_cast %broadcast_in_dim3A_504 : vector<16x1xi32> to vector<16xi32>
      %gather3A_506 = tpu.dynamic_gather %add3A_500[%gather3A_505] in [0] : vector<16xf32>, vector<16xi32> -> vector<16xf32>
      %add3A_507 = arith.addf %add3A_500, %gather3A_506 : vector<16xf32>
      %xor3A_508 = arith.constant 1 : i32
      %xor3A_509 = vector.broadcast %xor3A_508 : i32 to vector<16xi32>
      %xor3A_510 = arith.xori %iota3A, %xor3A_509 : vector<16xi32>
      %broadcast_in_dim3A_511 = vector.shape_cast %xor3A_510 : vector<16xi32> to vector<16x1xi32>
      %gather3A_512 = vector.shape_cast %broadcast_in_dim3A_511 : vector<16x1xi32> to vector<16xi32>
      %gather3A_513 = tpu.dynamic_gather %add3A_507[%gather3A_512] in [0] : vector<16xf32>, vector<16xi32> -> vector<16xf32>
      %add3A_514 = arith.addf %add3A_507, %gather3A_513 : vector<16xf32>
      %add3A_515 = arith.constant 0 : i32
      %add3A_516 = arith.addi %add3A_515, %scan3A_434 : i32
      %sub3A_517 = arith.constant 1 : i32
      %sub3A_518 = arith.subi %add3A_516, %sub3A_517 : i32
      %eq3A_519 = vector.broadcast %sub3A_518 : i32 to vector<16xi32>
      %eq3A_520 = arith.cmpi eq, %iota3A, %eq3A_519 : vector<16xi32>
      %select_n3A_521 = arith.select %eq3A_520, %scan3A_439, %scan3A_435 : vector<16xi1>, vector<16xf32>
      %select_n3A_522 = arith.select %eq3A_520, %add3A_483, %scan3A_436 : vector<16xi1>, vector<16xf32>
      %select_n3A_523 = arith.select %eq3A_520, %add3A_514, %scan3A_437 : vector<16xi1>, vector<16xf32>
      %select_n3A_524 = arith.select %eq3A_520, %scan3A_440, %scan3A_438 : vector<16xi1>, vector<16xf32>
      %max3A_525 = arith.maximumf %scan3A_451#0, %scan3A_451#1 : vector<16xf32>
      %max3A_526 = arith.maximumf %scan3A_451#2, %scan3A_451#3 : vector<16xf32>
      %max3A_527 = arith.maximumf %max3A_525, %max3A_526 : vector<16xf32>
      %xor3A_528 = arith.constant 8 : i32
      %xor3A_529 = vector.broadcast %xor3A_528 : i32 to vector<16xi32>
      %xor3A_530 = arith.xori %iota3A, %xor3A_529 : vector<16xi32>
      %broadcast_in_dim3A_531 = vector.shape_cast %xor3A_530 : vector<16xi32> to vector<16x1xi32>
      %gather3A_532 = vector.shape_cast %broadcast_in_dim3A_531 : vector<16x1xi32> to vector<16xi32>
      %gather3A_533 = tpu.dynamic_gather %max3A_527[%gather3A_532] in [0] : vector<16xf32>, vector<16xi32> -> vector<16xf32>
      %max3A_534 = arith.maximumf %max3A_527, %gather3A_533 : vector<16xf32>
      %xor3A_535 = arith.constant 4 : i32
      %xor3A_536 = vector.broadcast %xor3A_535 : i32 to vector<16xi32>
      %xor3A_537 = arith.xori %iota3A, %xor3A_536 : vector<16xi32>
      %broadcast_in_dim3A_538 = vector.shape_cast %xor3A_537 : vector<16xi32> to vector<16x1xi32>
      %gather3A_539 = vector.shape_cast %broadcast_in_dim3A_538 : vector<16x1xi32> to vector<16xi32>
      %gather3A_540 = tpu.dynamic_gather %max3A_534[%gather3A_539] in [0] : vector<16xf32>, vector<16xi32> -> vector<16xf32>
      %max3A_541 = arith.maximumf %max3A_534, %gather3A_540 : vector<16xf32>
      %xor3A_542 = arith.constant 2 : i32
      %xor3A_543 = vector.broadcast %xor3A_542 : i32 to vector<16xi32>
      %xor3A_544 = arith.xori %iota3A, %xor3A_543 : vector<16xi32>
      %broadcast_in_dim3A_545 = vector.shape_cast %xor3A_544 : vector<16xi32> to vector<16x1xi32>
      %gather3A_546 = vector.shape_cast %broadcast_in_dim3A_545 : vector<16x1xi32> to vector<16xi32>
      %gather3A_547 = tpu.dynamic_gather %max3A_541[%gather3A_546] in [0] : vector<16xf32>, vector<16xi32> -> vector<16xf32>
      %max3A_548 = arith.maximumf %max3A_541, %gather3A_547 : vector<16xf32>
      %xor3A_549 = arith.constant 1 : i32
      %xor3A_550 = vector.broadcast %xor3A_549 : i32 to vector<16xi32>
      %xor3A_551 = arith.xori %iota3A, %xor3A_550 : vector<16xi32>
      %broadcast_in_dim3A_552 = vector.shape_cast %xor3A_551 : vector<16xi32> to vector<16x1xi32>
      %gather3A_553 = vector.shape_cast %broadcast_in_dim3A_552 : vector<16x1xi32> to vector<16xi32>
      %gather3A_554 = tpu.dynamic_gather %max3A_548[%gather3A_553] in [0] : vector<16xf32>, vector<16xi32> -> vector<16xf32>
      %max3A_555 = arith.maximumf %max3A_548, %gather3A_554 : vector<16xf32>
      %and3A_556 = arith.constant 15 : i32
      %and3A_557 = vector.broadcast %and3A_556 : i32 to vector<16xi32>
      %and3A_558 = arith.andi %gather3A_446, %and3A_557 : vector<16xi32>
      %broadcast_in_dim3A_559 = vector.shape_cast %and3A_558 : vector<16xi32> to vector<16x1xi32>
      %gather3A_560 = vector.shape_cast %broadcast_in_dim3A_559 : vector<16x1xi32> to vector<16xi32>
      %gather3A_561 = tpu.dynamic_gather %scan3A_451#4[%gather3A_560] in [0] : vector<16xf32>, vector<16xi32> -> vector<16xf32>
      scf.yield %select_n3A_521, %select_n3A_522, %select_n3A_523, %select_n3A_524, %max3A_555, %gather3A_561 : vector<16xf32>, vector<16xf32>, vector<16xf32>, vector<16xf32>, vector<16xf32>, vector<16xf32>
    }
    %scan3A_96 = arith.constant 7 : i32
    %scan3A_97 = arith.constant 0 : i32
    %scan3A_98 = arith.constant 64 : i32
    %scan3A_99 = arith.addi %scan3A_97, %scan3A_98 : i32
    %scan3A_100 = arith.constant 1 : i32
    %scan3A_101:8 = scf.for %scan3A_434 = %scan3A_97 to %scan3A_99 step %scan3A_100 iter_args(%scan3A_435 = %broadcast_in_dim3A_38, %scan3A_436 = %broadcast_in_dim3A_38, %scan3A_437 = %broadcast_in_dim3A_38, %scan3A_438 = %broadcast_in_dim3A_38, %scan3A_439 = %broadcast_in_dim3A_38, %scan3A_440 = %broadcast_in_dim3A_38, %scan3A_441 = %broadcast_in_dim3A_38, %scan3A_442 = %broadcast_in_dim3A_38) -> (vector<16xf32>, vector<16xf32>, vector<16xf32>, vector<16xf32>, vector<16xf32>, vector<16xf32>, vector<16xf32>, vector<16xf32>)  : i32 {
      %mul3A_443 = arith.constant 64 : i32
      %mul3A_444 = arith.muli %scan3A_434, %mul3A_443 : i32
      %add3A_445 = arith.constant 28672 : i32
      %add3A_446 = arith.addi %add3A_445, %mul3A_444 : i32
      %add3A_447 = arith.constant 0 : i32
      %add3A_448 = arith.addi %add3A_446, %add3A_447 : i32
      %get3A_449 = arith.index_cast %add3A_448 : i32 to index
      %get3A_450 = tpu.vector_load %arg5[%get3A_449] {strides = array<i32>} : memref<32768xf32, #tpu.memory_space<vmem>>, vector<16xf32>,
      %get3A_451 = vector.shape_cast %get3A_450 : vector<16xf32> to vector<16xf32>
      %sub3A_452 = arith.subf %get3A_451, %scan3A_95#4 : vector<16xf32>
      %exp3A_453 = math.exp %sub3A_452 : vector<16xf32>
      %add3A_454 = arith.addf %scan3A_435, %exp3A_453 : vector<16xf32>
      %mul3A_455 = arith.mulf %sub3A_452, %exp3A_453 : vector<16xf32>
      %add3A_456 = arith.addf %scan3A_439, %mul3A_455 : vector<16xf32>
      %add3A_457 = arith.constant 16 : i32
      %add3A_458 = arith.addi %add3A_446, %add3A_457 : i32
      %get3A_459 = arith.index_cast %add3A_458 : i32 to index
      %get3A_460 = tpu.vector_load %arg5[%get3A_459] {strides = array<i32>} : memref<32768xf32, #tpu.memory_space<vmem>>, vector<16xf32>,
      %get3A_461 = vector.shape_cast %get3A_460 : vector<16xf32> to vector<16xf32>
      %sub3A_462 = arith.subf %get3A_461, %scan3A_95#4 : vector<16xf32>
      %exp3A_463 = math.exp %sub3A_462 : vector<16xf32>
      %add3A_464 = arith.addf %scan3A_436, %exp3A_463 : vector<16xf32>
      %mul3A_465 = arith.mulf %sub3A_462, %exp3A_463 : vector<16xf32>
      %add3A_466 = arith.addf %scan3A_440, %mul3A_465 : vector<16xf32>
      %add3A_467 = arith.constant 32 : i32
      %add3A_468 = arith.addi %add3A_446, %add3A_467 : i32
      %get3A_469 = arith.index_cast %add3A_468 : i32 to index
      %get3A_470 = tpu.vector_load %arg5[%get3A_469] {strides = array<i32>} : memref<32768xf32, #tpu.memory_space<vmem>>, vector<16xf32>,
      %get3A_471 = vector.shape_cast %get3A_470 : vector<16xf32> to vector<16xf32>
      %sub3A_472 = arith.subf %get3A_471, %scan3A_95#4 : vector<16xf32>
      %exp3A_473 = math.exp %sub3A_472 : vector<16xf32>
      %add3A_474 = arith.addf %scan3A_437, %exp3A_473 : vector<16xf32>
      %mul3A_475 = arith.mulf %sub3A_472, %exp3A_473 : vector<16xf32>
      %add3A_476 = arith.addf %scan3A_441, %mul3A_475 : vector<16xf32>
      %add3A_477 = arith.constant 48 : i32
      %add3A_478 = arith.addi %add3A_446, %add3A_477 : i32
      %get3A_479 = arith.index_cast %add3A_478 : i32 to index
      %get3A_480 = tpu.vector_load %arg5[%get3A_479] {strides = array<i32>} : memref<32768xf32, #tpu.memory_space<vmem>>, vector<16xf32>,
      %get3A_481 = vector.shape_cast %get3A_480 : vector<16xf32> to vector<16xf32>
      %sub3A_482 = arith.subf %get3A_481, %scan3A_95#4 : vector<16xf32>
      %exp3A_483 = math.exp %sub3A_482 : vector<16xf32>
      %add3A_484 = arith.addf %scan3A_438, %exp3A_483 : vector<16xf32>
      %mul3A_485 = arith.mulf %sub3A_482, %exp3A_483 : vector<16xf32>
      %add3A_486 = arith.addf %scan3A_442, %mul3A_485 : vector<16xf32>
      scf.yield %add3A_454, %add3A_464, %add3A_474, %add3A_484, %add3A_456, %add3A_466, %add3A_476, %add3A_486 : vector<16xf32>, vector<16xf32>, vector<16xf32>, vector<16xf32>, vector<16xf32>, vector<16xf32>, vector<16xf32>, vector<16xf32>
    }
    %scan3A_102 = arith.constant 64 : i32
    %add3A_103 = arith.addf %scan3A_101#0, %scan3A_101#1 : vector<16xf32>
    %add3A_104 = arith.addf %scan3A_101#2, %scan3A_101#3 : vector<16xf32>
    %add3A_105 = arith.addf %add3A_103, %add3A_104 : vector<16xf32>
    %xor3A_106 = arith.constant 8 : i32
    %xor3A_107 = vector.broadcast %xor3A_106 : i32 to vector<16xi32>
    %xor3A_108 = arith.xori %iota3A, %xor3A_107 : vector<16xi32>
    %broadcast_in_dim3A_109 = vector.shape_cast %xor3A_108 : vector<16xi32> to vector<16x1xi32>
    %gather3A_110 = vector.shape_cast %broadcast_in_dim3A_109 : vector<16x1xi32> to vector<16xi32>
    %gather3A_111 = tpu.dynamic_gather %add3A_105[%gather3A_110] in [0] : vector<16xf32>, vector<16xi32> -> vector<16xf32>
    %add3A_112 = arith.addf %add3A_105, %gather3A_111 : vector<16xf32>
    %xor3A_113 = arith.constant 4 : i32
    %xor3A_114 = vector.broadcast %xor3A_113 : i32 to vector<16xi32>
    %xor3A_115 = arith.xori %iota3A, %xor3A_114 : vector<16xi32>
    %broadcast_in_dim3A_116 = vector.shape_cast %xor3A_115 : vector<16xi32> to vector<16x1xi32>
    %gather3A_117 = vector.shape_cast %broadcast_in_dim3A_116 : vector<16x1xi32> to vector<16xi32>
    %gather3A_118 = tpu.dynamic_gather %add3A_112[%gather3A_117] in [0] : vector<16xf32>, vector<16xi32> -> vector<16xf32>
    %add3A_119 = arith.addf %add3A_112, %gather3A_118 : vector<16xf32>
    %xor3A_120 = arith.constant 2 : i32
    %xor3A_121 = vector.broadcast %xor3A_120 : i32 to vector<16xi32>
    %xor3A_122 = arith.xori %iota3A, %xor3A_121 : vector<16xi32>
    %broadcast_in_dim3A_123 = vector.shape_cast %xor3A_122 : vector<16xi32> to vector<16x1xi32>
    %gather3A_124 = vector.shape_cast %broadcast_in_dim3A_123 : vector<16x1xi32> to vector<16xi32>
    %gather3A_125 = tpu.dynamic_gather %add3A_119[%gather3A_124] in [0] : vector<16xf32>, vector<16xi32> -> vector<16xf32>
    %add3A_126 = arith.addf %add3A_119, %gather3A_125 : vector<16xf32>
    %xor3A_127 = arith.constant 1 : i32
    %xor3A_128 = vector.broadcast %xor3A_127 : i32 to vector<16xi32>
    %xor3A_129 = arith.xori %iota3A, %xor3A_128 : vector<16xi32>
    %broadcast_in_dim3A_130 = vector.shape_cast %xor3A_129 : vector<16xi32> to vector<16x1xi32>
    %gather3A_131 = vector.shape_cast %broadcast_in_dim3A_130 : vector<16x1xi32> to vector<16xi32>
    %gather3A_132 = tpu.dynamic_gather %add3A_126[%gather3A_131] in [0] : vector<16xf32>, vector<16xi32> -> vector<16xf32>
    %add3A_133 = arith.addf %add3A_126, %gather3A_132 : vector<16xf32>
    %add3A_134 = arith.addf %scan3A_101#4, %scan3A_101#5 : vector<16xf32>
    %add3A_135 = arith.addf %scan3A_101#6, %scan3A_101#7 : vector<16xf32>
    %add3A_136 = arith.addf %add3A_134, %add3A_135 : vector<16xf32>
    %xor3A_137 = arith.constant 8 : i32
    %xor3A_138 = vector.broadcast %xor3A_137 : i32 to vector<16xi32>
    %xor3A_139 = arith.xori %iota3A, %xor3A_138 : vector<16xi32>
    %broadcast_in_dim3A_140 = vector.shape_cast %xor3A_139 : vector<16xi32> to vector<16x1xi32>
    %gather3A_141 = vector.shape_cast %broadcast_in_dim3A_140 : vector<16x1xi32> to vector<16xi32>
    %gather3A_142 = tpu.dynamic_gather %add3A_136[%gather3A_141] in [0] : vector<16xf32>, vector<16xi32> -> vector<16xf32>
    %add3A_143 = arith.addf %add3A_136, %gather3A_142 : vector<16xf32>
    %xor3A_144 = arith.constant 4 : i32
    %xor3A_145 = vector.broadcast %xor3A_144 : i32 to vector<16xi32>
    %xor3A_146 = arith.xori %iota3A, %xor3A_145 : vector<16xi32>
    %broadcast_in_dim3A_147 = vector.shape_cast %xor3A_146 : vector<16xi32> to vector<16x1xi32>
    %gather3A_148 = vector.shape_cast %broadcast_in_dim3A_147 : vector<16x1xi32> to vector<16xi32>
    %gather3A_149 = tpu.dynamic_gather %add3A_143[%gather3A_148] in [0] : vector<16xf32>, vector<16xi32> -> vector<16xf32>
    %add3A_150 = arith.addf %add3A_143, %gather3A_149 : vector<16xf32>
    %xor3A_151 = arith.constant 2 : i32
    %xor3A_152 = vector.broadcast %xor3A_151 : i32 to vector<16xi32>
    %xor3A_153 = arith.xori %iota3A, %xor3A_152 : vector<16xi32>
    %broadcast_in_dim3A_154 = vector.shape_cast %xor3A_153 : vector<16xi32> to vector<16x1xi32>
    %gather3A_155 = vector.shape_cast %broadcast_in_dim3A_154 : vector<16x1xi32> to vector<16xi32>
    %gather3A_156 = tpu.dynamic_gather %add3A_150[%gather3A_155] in [0] : vector<16xf32>, vector<16xi32> -> vector<16xf32>
    %add3A_157 = arith.addf %add3A_150, %gather3A_156 : vector<16xf32>
    %xor3A_158 = arith.constant 1 : i32
    %xor3A_159 = vector.broadcast %xor3A_158 : i32 to vector<16xi32>
    %xor3A_160 = arith.xori %iota3A, %xor3A_159 : vector<16xi32>
    %broadcast_in_dim3A_161 = vector.shape_cast %xor3A_160 : vector<16xi32> to vector<16x1xi32>
    %gather3A_162 = vector.shape_cast %broadcast_in_dim3A_161 : vector<16x1xi32> to vector<16xi32>
    %gather3A_163 = tpu.dynamic_gather %add3A_157[%gather3A_162] in [0] : vector<16xf32>, vector<16xi32> -> vector<16xf32>
    %add3A_164 = arith.addf %add3A_157, %gather3A_163 : vector<16xf32>
    %eq3A = arith.constant 7 : i32
    %eq3A_165 = vector.broadcast %eq3A : i32 to vector<16xi32>
    %eq3A_166 = arith.cmpi eq, %iota3A, %eq3A_165 : vector<16xi32>
    %select_n3A = arith.select %eq3A_166, %scan3A_95#4, %scan3A_95#0 : vector<16xi1>, vector<16xf32>
    %select_n3A_167 = arith.select %eq3A_166, %add3A_133, %scan3A_95#1 : vector<16xi1>, vector<16xf32>
    %select_n3A_168 = arith.select %eq3A_166, %add3A_164, %scan3A_95#2 : vector<16xi1>, vector<16xf32>
    %select_n3A_169 = arith.select %eq3A_166, %scan3A_95#5, %scan3A_95#3 : vector<16xi1>, vector<16xf32>
    %get3A_170 = arith.constant 0 : index
    %get3A_171 = tpu.vector_load %arg7[%get3A_170] {strides = array<i32>} : memref<16xi32, #tpu.memory_space<vmem>>, vector<16xi32>,
    %get3A_172 = vector.shape_cast %get3A_171 : vector<16xi32> to vector<16xi32>
    %dma_wait3A_173 = arith.constant 0 : i32
    %dma_wait3A_174 = tpu.memref_slice %arg2[%add3A_13, %dma_wait3A_173] : memref<128x32768xf32, #tpu.memory_space<hbm>> -> memref<1x32768xf32, #tpu.memory_space<hbm>>
    %dma_wait3A_175 = tpu.memref_squeeze %dma_wait3A_174 : memref<1x32768xf32, #tpu.memory_space<hbm>> -> memref<32768xf32, #tpu.memory_space<hbm>>
    %dma_wait3A_176 = arith.constant 0 : i32
    %dma_wait3A_177 = tpu.memref_slice %arg2[%add3A_13, %dma_wait3A_176] : memref<128x32768xf32, #tpu.memory_space<hbm>> -> memref<1x32768xf32, #tpu.memory_space<hbm>>
    %dma_wait3A_178 = tpu.memref_squeeze %dma_wait3A_177 : memref<1x32768xf32, #tpu.memory_space<hbm>> -> memref<32768xf32, #tpu.memory_space<hbm>>
    tpu.wait_dma2 semaphore(%arg11 : memref<!tpu.dma_semaphore, #tpu.memory_space<semaphore_mem>>) src(%dma_wait3A_178 : memref<32768xf32, #tpu.memory_space<hbm>>) dst(%arg6 : memref<32768xf32, #tpu.memory_space<vmem>>)
    %broadcast_in_dim3A_179 = arith.constant 0.000000e+00 : f32
    %broadcast_in_dim3A_180 = vector.broadcast %broadcast_in_dim3A_179 : f32 to vector<16xf32>
    %broadcast_in_dim3A_181 = arith.constant 0xFF800000 : f32
    %broadcast_in_dim3A_182 = vector.broadcast %broadcast_in_dim3A_181 : f32 to vector<16xf32>
    %broadcast_in_dim3A_183 = arith.constant 0xFF800000 : f32
    %broadcast_in_dim3A_184 = vector.broadcast %broadcast_in_dim3A_183 : f32 to vector<16xf32>
    %broadcast_in_dim3A_185 = arith.constant 0xFF800000 : f32
    %broadcast_in_dim3A_186 = vector.broadcast %broadcast_in_dim3A_185 : f32 to vector<16xf32>
    %broadcast_in_dim3A_187 = arith.constant 0xFF800000 : f32
    %broadcast_in_dim3A_188 = vector.broadcast %broadcast_in_dim3A_187 : f32 to vector<16xf32>
    %broadcast_in_dim3A_189 = arith.constant 8 : i32
    %broadcast_in_dim3A_190 = vector.broadcast %broadcast_in_dim3A_189 : i32 to vector<16xi32>
    %broadcast_in_dim3A_191 = vector.shape_cast %broadcast_in_dim3A_190 : vector<16xi32> to vector<16x1xi32>
    %gather3A_192 = vector.shape_cast %broadcast_in_dim3A_191 : vector<16x1xi32> to vector<16xi32>
    %gather3A_193 = tpu.dynamic_gather %get3A_172[%gather3A_192] in [0] : vector<16xi32>, vector<16xi32> -> vector<16xi32>
    %scan3A_194 = arith.constant 0 : i32
    %scan3A_195 = arith.constant 64 : i32
    %scan3A_196 = arith.addi %scan3A_194, %scan3A_195 : i32
    %scan3A_197 = arith.constant 1 : i32
    %scan3A_198:6 = scf.for %scan3A_434 = %scan3A_194 to %scan3A_196 step %scan3A_197 iter_args(%scan3A_435 = %broadcast_in_dim3A_182, %scan3A_436 = %broadcast_in_dim3A_184, %scan3A_437 = %broadcast_in_dim3A_186, %scan3A_438 = %broadcast_in_dim3A_188, %scan3A_439 = %broadcast_in_dim3A_180, %scan3A_440 = %iota3A) -> (vector<16xf32>, vector<16xf32>, vector<16xf32>, vector<16xf32>, vector<16xf32>, vector<16xi32>)  : i32 {
      %mul3A_441 = arith.constant 64 : i32
      %mul3A_442 = arith.muli %scan3A_434, %mul3A_441 : i32
      %add3A_443 = arith.constant 0 : i32
      %add3A_444 = arith.addi %mul3A_442, %add3A_443 : i32
      %get3A_445 = arith.index_cast %add3A_444 : i32 to index
      %get3A_446 = tpu.vector_load %arg6[%get3A_445] {strides = array<i32>} : memref<32768xf32, #tpu.memory_space<vmem>>, vector<16xf32>,
      %get3A_447 = vector.shape_cast %get3A_446 : vector<16xf32> to vector<16xf32>
      %add3A_448 = arith.constant 0 : i32
      %add3A_449 = vector.broadcast %add3A_448 : i32 to vector<16xi32>
      %add3A_450 = arith.addi %scan3A_440, %add3A_449 : vector<16xi32>
      %eq3A_451 = arith.cmpi eq, %add3A_450, %gather3A_193 : vector<16xi32>
      %select_n3A_452 = arith.select %eq3A_451, %get3A_447, %scan3A_439 : vector<16xi1>, vector<16xf32>
      %max3A_453 = arith.maximumf %scan3A_435, %get3A_447 : vector<16xf32>
      %add3A_454 = arith.constant 16 : i32
      %add3A_455 = arith.addi %mul3A_442, %add3A_454 : i32
      %get3A_456 = arith.index_cast %add3A_455 : i32 to index
      %get3A_457 = tpu.vector_load %arg6[%get3A_456] {strides = array<i32>} : memref<32768xf32, #tpu.memory_space<vmem>>, vector<16xf32>,
      %get3A_458 = vector.shape_cast %get3A_457 : vector<16xf32> to vector<16xf32>
      %add3A_459 = arith.constant 16 : i32
      %add3A_460 = vector.broadcast %add3A_459 : i32 to vector<16xi32>
      %add3A_461 = arith.addi %scan3A_440, %add3A_460 : vector<16xi32>
      %eq3A_462 = arith.cmpi eq, %add3A_461, %gather3A_193 : vector<16xi32>
      %select_n3A_463 = arith.select %eq3A_462, %get3A_458, %select_n3A_452 : vector<16xi1>, vector<16xf32>
      %max3A_464 = arith.maximumf %scan3A_436, %get3A_458 : vector<16xf32>
      %add3A_465 = arith.constant 32 : i32
      %add3A_466 = arith.addi %mul3A_442, %add3A_465 : i32
      %get3A_467 = arith.index_cast %add3A_466 : i32 to index
      %get3A_468 = tpu.vector_load %arg6[%get3A_467] {strides = array<i32>} : memref<32768xf32, #tpu.memory_space<vmem>>, vector<16xf32>,
      %get3A_469 = vector.shape_cast %get3A_468 : vector<16xf32> to vector<16xf32>
      %add3A_470 = arith.constant 32 : i32
      %add3A_471 = vector.broadcast %add3A_470 : i32 to vector<16xi32>
      %add3A_472 = arith.addi %scan3A_440, %add3A_471 : vector<16xi32>
      %eq3A_473 = arith.cmpi eq, %add3A_472, %gather3A_193 : vector<16xi32>
      %select_n3A_474 = arith.select %eq3A_473, %get3A_469, %select_n3A_463 : vector<16xi1>, vector<16xf32>
      %max3A_475 = arith.maximumf %scan3A_437, %get3A_469 : vector<16xf32>
      %add3A_476 = arith.constant 48 : i32
      %add3A_477 = arith.addi %mul3A_442, %add3A_476 : i32
      %get3A_478 = arith.index_cast %add3A_477 : i32 to index
      %get3A_479 = tpu.vector_load %arg6[%get3A_478] {strides = array<i32>} : memref<32768xf32, #tpu.memory_space<vmem>>, vector<16xf32>,
      %get3A_480 = vector.shape_cast %get3A_479 : vector<16xf32> to vector<16xf32>
      %add3A_481 = arith.constant 48 : i32
      %add3A_482 = vector.broadcast %add3A_481 : i32 to vector<16xi32>
      %add3A_483 = arith.addi %scan3A_440, %add3A_482 : vector<16xi32>
      %eq3A_484 = arith.cmpi eq, %add3A_483, %gather3A_193 : vector<16xi32>
      %select_n3A_485 = arith.select %eq3A_484, %get3A_480, %select_n3A_474 : vector<16xi1>, vector<16xf32>
      %max3A_486 = arith.maximumf %scan3A_438, %get3A_480 : vector<16xf32>
      %add3A_487 = arith.constant 64 : i32
      %add3A_488 = vector.broadcast %add3A_487 : i32 to vector<16xi32>
      %add3A_489 = arith.addi %scan3A_440, %add3A_488 : vector<16xi32>
      scf.yield %max3A_453, %max3A_464, %max3A_475, %max3A_486, %select_n3A_485, %add3A_489 : vector<16xf32>, vector<16xf32>, vector<16xf32>, vector<16xf32>, vector<16xf32>, vector<16xi32>
    }
    %scan3A_199 = arith.constant 64 : i32
    %max3A_200 = arith.maximumf %scan3A_198#0, %scan3A_198#1 : vector<16xf32>
    %max3A_201 = arith.maximumf %scan3A_198#2, %scan3A_198#3 : vector<16xf32>
    %max3A_202 = arith.maximumf %max3A_200, %max3A_201 : vector<16xf32>
    %xor3A_203 = arith.constant 8 : i32
    %xor3A_204 = vector.broadcast %xor3A_203 : i32 to vector<16xi32>
    %xor3A_205 = arith.xori %iota3A, %xor3A_204 : vector<16xi32>
    %broadcast_in_dim3A_206 = vector.shape_cast %xor3A_205 : vector<16xi32> to vector<16x1xi32>
    %gather3A_207 = vector.shape_cast %broadcast_in_dim3A_206 : vector<16x1xi32> to vector<16xi32>
    %gather3A_208 = tpu.dynamic_gather %max3A_202[%gather3A_207] in [0] : vector<16xf32>, vector<16xi32> -> vector<16xf32>
    %max3A_209 = arith.maximumf %max3A_202, %gather3A_208 : vector<16xf32>
    %xor3A_210 = arith.constant 4 : i32
    %xor3A_211 = vector.broadcast %xor3A_210 : i32 to vector<16xi32>
    %xor3A_212 = arith.xori %iota3A, %xor3A_211 : vector<16xi32>
    %broadcast_in_dim3A_213 = vector.shape_cast %xor3A_212 : vector<16xi32> to vector<16x1xi32>
    %gather3A_214 = vector.shape_cast %broadcast_in_dim3A_213 : vector<16x1xi32> to vector<16xi32>
    %gather3A_215 = tpu.dynamic_gather %max3A_209[%gather3A_214] in [0] : vector<16xf32>, vector<16xi32> -> vector<16xf32>
    %max3A_216 = arith.maximumf %max3A_209, %gather3A_215 : vector<16xf32>
    %xor3A_217 = arith.constant 2 : i32
    %xor3A_218 = vector.broadcast %xor3A_217 : i32 to vector<16xi32>
    %xor3A_219 = arith.xori %iota3A, %xor3A_218 : vector<16xi32>
    %broadcast_in_dim3A_220 = vector.shape_cast %xor3A_219 : vector<16xi32> to vector<16x1xi32>
    %gather3A_221 = vector.shape_cast %broadcast_in_dim3A_220 : vector<16x1xi32> to vector<16xi32>
    %gather3A_222 = tpu.dynamic_gather %max3A_216[%gather3A_221] in [0] : vector<16xf32>, vector<16xi32> -> vector<16xf32>
    %max3A_223 = arith.maximumf %max3A_216, %gather3A_222 : vector<16xf32>
    %xor3A_224 = arith.constant 1 : i32
    %xor3A_225 = vector.broadcast %xor3A_224 : i32 to vector<16xi32>
    %xor3A_226 = arith.xori %iota3A, %xor3A_225 : vector<16xi32>
    %broadcast_in_dim3A_227 = vector.shape_cast %xor3A_226 : vector<16xi32> to vector<16x1xi32>
    %gather3A_228 = vector.shape_cast %broadcast_in_dim3A_227 : vector<16x1xi32> to vector<16xi32>
    %gather3A_229 = tpu.dynamic_gather %max3A_223[%gather3A_228] in [0] : vector<16xf32>, vector<16xi32> -> vector<16xf32>
    %max3A_230 = arith.maximumf %max3A_223, %gather3A_229 : vector<16xf32>
    %and3A_231 = arith.constant 15 : i32
    %and3A_232 = vector.broadcast %and3A_231 : i32 to vector<16xi32>
    %and3A_233 = arith.andi %gather3A_193, %and3A_232 : vector<16xi32>
    %broadcast_in_dim3A_234 = vector.shape_cast %and3A_233 : vector<16xi32> to vector<16x1xi32>
    %gather3A_235 = vector.shape_cast %broadcast_in_dim3A_234 : vector<16x1xi32> to vector<16xi32>
    %gather3A_236 = tpu.dynamic_gather %scan3A_198#4[%gather3A_235] in [0] : vector<16xf32>, vector<16xi32> -> vector<16xf32>
    %scan3A_237 = arith.constant 1 : i32
    %scan3A_238 = arith.constant 7 : i32
    %scan3A_239 = arith.addi %scan3A_237, %scan3A_238 : i32
    %scan3A_240 = arith.constant 1 : i32
    %scan3A_241:6 = scf.for %scan3A_434 = %scan3A_237 to %scan3A_239 step %scan3A_240 iter_args(%scan3A_435 = %select_n3A, %scan3A_436 = %select_n3A_167, %scan3A_437 = %select_n3A_168, %scan3A_438 = %select_n3A_169, %scan3A_439 = %max3A_230, %scan3A_440 = %gather3A_236) -> (vector<16xf32>, vector<16xf32>, vector<16xf32>, vector<16xf32>, vector<16xf32>, vector<16xf32>)  : i32 {
      %add3A_441 = arith.constant 8 : i32
      %add3A_442 = arith.addi %add3A_441, %scan3A_434 : i32
      %broadcast_in_dim3A_443 = vector.broadcast %add3A_442 : i32 to vector<16xi32>
      %broadcast_in_dim3A_444 = vector.shape_cast %broadcast_in_dim3A_443 : vector<16xi32> to vector<16x1xi32>
      %gather3A_445 = vector.shape_cast %broadcast_in_dim3A_444 : vector<16x1xi32> to vector<16xi32>
      %gather3A_446 = tpu.dynamic_gather %get3A_172[%gather3A_445] in [0] : vector<16xi32>, vector<16xi32> -> vector<16xi32>
      %scan3A_447 = arith.constant 0 : i32
      %scan3A_448 = arith.constant 64 : i32
      %scan3A_449 = arith.addi %scan3A_447, %scan3A_448 : i32
      %scan3A_450 = arith.constant 1 : i32
      %scan3A_451:14 = scf.for %scan3A_562 = %scan3A_447 to %scan3A_449 step %scan3A_450 iter_args(%scan3A_563 = %broadcast_in_dim3A_182, %scan3A_564 = %broadcast_in_dim3A_184, %scan3A_565 = %broadcast_in_dim3A_186, %scan3A_566 = %broadcast_in_dim3A_188, %scan3A_567 = %broadcast_in_dim3A_180, %scan3A_568 = %iota3A, %scan3A_569 = %broadcast_in_dim3A_180, %scan3A_570 = %broadcast_in_dim3A_180, %scan3A_571 = %broadcast_in_dim3A_180, %scan3A_572 = %broadcast_in_dim3A_180, %scan3A_573 = %broadcast_in_dim3A_180, %scan3A_574 = %broadcast_in_dim3A_180, %scan3A_575 = %broadcast_in_dim3A_180, %scan3A_576 = %broadcast_in_dim3A_180) -> (vector<16xf32>, vector<16xf32>, vector<16xf32>, vector<16xf32>, vector<16xf32>, vector<16xi32>, vector<16xf32>, vector<16xf32>, vector<16xf32>, vector<16xf32>, vector<16xf32>, vector<16xf32>, vector<16xf32>, vector<16xf32>)  : i32 {
        %mul3A_577 = arith.constant 4096 : i32
        %mul3A_578 = arith.muli %scan3A_434, %mul3A_577 : i32
        %mul3A_579 = arith.constant 64 : i32
        %mul3A_580 = arith.muli %scan3A_562, %mul3A_579 : i32
        %add3A_581 = arith.addi %mul3A_578, %mul3A_580 : i32
        %sub3A_582 = arith.constant 4096 : i32
        %sub3A_583 = arith.subi %add3A_581, %sub3A_582 : i32
        %add3A_584 = arith.constant 0 : i32
        %add3A_585 = arith.addi %sub3A_583, %add3A_584 : i32
        %get3A_586 = arith.index_cast %add3A_585 : i32 to index
        %get3A_587 = tpu.vector_load %arg6[%get3A_586] {strides = array<i32>} : memref<32768xf32, #tpu.memory_space<vmem>>, vector<16xf32>,
        %get3A_588 = vector.shape_cast %get3A_587 : vector<16xf32> to vector<16xf32>
        %sub3A_589 = arith.subf %get3A_588, %scan3A_439 : vector<16xf32>
        %exp3A_590 = math.exp %sub3A_589 : vector<16xf32>
        %add3A_591 = arith.addf %scan3A_569, %exp3A_590 : vector<16xf32>
        %mul3A_592 = arith.mulf %sub3A_589, %exp3A_590 : vector<16xf32>
        %add3A_593 = arith.addf %scan3A_573, %mul3A_592 : vector<16xf32>
        %add3A_594 = arith.constant 0 : i32
        %add3A_595 = arith.addi %add3A_581, %add3A_594 : i32
        %get3A_596 = arith.index_cast %add3A_595 : i32 to index
        %get3A_597 = tpu.vector_load %arg6[%get3A_596] {strides = array<i32>} : memref<32768xf32, #tpu.memory_space<vmem>>, vector<16xf32>,
        %get3A_598 = vector.shape_cast %get3A_597 : vector<16xf32> to vector<16xf32>
        %add3A_599 = arith.constant 0 : i32
        %add3A_600 = vector.broadcast %add3A_599 : i32 to vector<16xi32>
        %add3A_601 = arith.addi %scan3A_568, %add3A_600 : vector<16xi32>
        %eq3A_602 = arith.cmpi eq, %add3A_601, %gather3A_446 : vector<16xi32>
        %select_n3A_603 = arith.select %eq3A_602, %get3A_598, %scan3A_567 : vector<16xi1>, vector<16xf32>
        %max3A_604 = arith.maximumf %scan3A_563, %get3A_598 : vector<16xf32>
        %add3A_605 = arith.constant 16 : i32
        %add3A_606 = arith.addi %sub3A_583, %add3A_605 : i32
        %get3A_607 = arith.index_cast %add3A_606 : i32 to index
        %get3A_608 = tpu.vector_load %arg6[%get3A_607] {strides = array<i32>} : memref<32768xf32, #tpu.memory_space<vmem>>, vector<16xf32>,
        %get3A_609 = vector.shape_cast %get3A_608 : vector<16xf32> to vector<16xf32>
        %sub3A_610 = arith.subf %get3A_609, %scan3A_439 : vector<16xf32>
        %exp3A_611 = math.exp %sub3A_610 : vector<16xf32>
        %add3A_612 = arith.addf %scan3A_570, %exp3A_611 : vector<16xf32>
        %mul3A_613 = arith.mulf %sub3A_610, %exp3A_611 : vector<16xf32>
        %add3A_614 = arith.addf %scan3A_574, %mul3A_613 : vector<16xf32>
        %add3A_615 = arith.constant 16 : i32
        %add3A_616 = arith.addi %add3A_581, %add3A_615 : i32
        %get3A_617 = arith.index_cast %add3A_616 : i32 to index
        %get3A_618 = tpu.vector_load %arg6[%get3A_617] {strides = array<i32>} : memref<32768xf32, #tpu.memory_space<vmem>>, vector<16xf32>,
        %get3A_619 = vector.shape_cast %get3A_618 : vector<16xf32> to vector<16xf32>
        %add3A_620 = arith.constant 16 : i32
        %add3A_621 = vector.broadcast %add3A_620 : i32 to vector<16xi32>
        %add3A_622 = arith.addi %scan3A_568, %add3A_621 : vector<16xi32>
        %eq3A_623 = arith.cmpi eq, %add3A_622, %gather3A_446 : vector<16xi32>
        %select_n3A_624 = arith.select %eq3A_623, %get3A_619, %select_n3A_603 : vector<16xi1>, vector<16xf32>
        %max3A_625 = arith.maximumf %scan3A_564, %get3A_619 : vector<16xf32>
        %add3A_626 = arith.constant 32 : i32
        %add3A_627 = arith.addi %sub3A_583, %add3A_626 : i32
        %get3A_628 = arith.index_cast %add3A_627 : i32 to index
        %get3A_629 = tpu.vector_load %arg6[%get3A_628] {strides = array<i32>} : memref<32768xf32, #tpu.memory_space<vmem>>, vector<16xf32>,
        %get3A_630 = vector.shape_cast %get3A_629 : vector<16xf32> to vector<16xf32>
        %sub3A_631 = arith.subf %get3A_630, %scan3A_439 : vector<16xf32>
        %exp3A_632 = math.exp %sub3A_631 : vector<16xf32>
        %add3A_633 = arith.addf %scan3A_571, %exp3A_632 : vector<16xf32>
        %mul3A_634 = arith.mulf %sub3A_631, %exp3A_632 : vector<16xf32>
        %add3A_635 = arith.addf %scan3A_575, %mul3A_634 : vector<16xf32>
        %add3A_636 = arith.constant 32 : i32
        %add3A_637 = arith.addi %add3A_581, %add3A_636 : i32
        %get3A_638 = arith.index_cast %add3A_637 : i32 to index
        %get3A_639 = tpu.vector_load %arg6[%get3A_638] {strides = array<i32>} : memref<32768xf32, #tpu.memory_space<vmem>>, vector<16xf32>,
        %get3A_640 = vector.shape_cast %get3A_639 : vector<16xf32> to vector<16xf32>
        %add3A_641 = arith.constant 32 : i32
        %add3A_642 = vector.broadcast %add3A_641 : i32 to vector<16xi32>
        %add3A_643 = arith.addi %scan3A_568, %add3A_642 : vector<16xi32>
        %eq3A_644 = arith.cmpi eq, %add3A_643, %gather3A_446 : vector<16xi32>
        %select_n3A_645 = arith.select %eq3A_644, %get3A_640, %select_n3A_624 : vector<16xi1>, vector<16xf32>
        %max3A_646 = arith.maximumf %scan3A_565, %get3A_640 : vector<16xf32>
        %add3A_647 = arith.constant 48 : i32
        %add3A_648 = arith.addi %sub3A_583, %add3A_647 : i32
        %get3A_649 = arith.index_cast %add3A_648 : i32 to index
        %get3A_650 = tpu.vector_load %arg6[%get3A_649] {strides = array<i32>} : memref<32768xf32, #tpu.memory_space<vmem>>, vector<16xf32>,
        %get3A_651 = vector.shape_cast %get3A_650 : vector<16xf32> to vector<16xf32>
        %sub3A_652 = arith.subf %get3A_651, %scan3A_439 : vector<16xf32>
        %exp3A_653 = math.exp %sub3A_652 : vector<16xf32>
        %add3A_654 = arith.addf %scan3A_572, %exp3A_653 : vector<16xf32>
        %mul3A_655 = arith.mulf %sub3A_652, %exp3A_653 : vector<16xf32>
        %add3A_656 = arith.addf %scan3A_576, %mul3A_655 : vector<16xf32>
        %add3A_657 = arith.constant 48 : i32
        %add3A_658 = arith.addi %add3A_581, %add3A_657 : i32
        %get3A_659 = arith.index_cast %add3A_658 : i32 to index
        %get3A_660 = tpu.vector_load %arg6[%get3A_659] {strides = array<i32>} : memref<32768xf32, #tpu.memory_space<vmem>>, vector<16xf32>,
        %get3A_661 = vector.shape_cast %get3A_660 : vector<16xf32> to vector<16xf32>
        %add3A_662 = arith.constant 48 : i32
        %add3A_663 = vector.broadcast %add3A_662 : i32 to vector<16xi32>
        %add3A_664 = arith.addi %scan3A_568, %add3A_663 : vector<16xi32>
        %eq3A_665 = arith.cmpi eq, %add3A_664, %gather3A_446 : vector<16xi32>
        %select_n3A_666 = arith.select %eq3A_665, %get3A_661, %select_n3A_645 : vector<16xi1>, vector<16xf32>
        %max3A_667 = arith.maximumf %scan3A_566, %get3A_661 : vector<16xf32>
        %add3A_668 = arith.constant 64 : i32
        %add3A_669 = vector.broadcast %add3A_668 : i32 to vector<16xi32>
        %add3A_670 = arith.addi %scan3A_568, %add3A_669 : vector<16xi32>
        scf.yield %max3A_604, %max3A_625, %max3A_646, %max3A_667, %select_n3A_666, %add3A_670, %add3A_591, %add3A_612, %add3A_633, %add3A_654, %add3A_593, %add3A_614, %add3A_635, %add3A_656 : vector<16xf32>, vector<16xf32>, vector<16xf32>, vector<16xf32>, vector<16xf32>, vector<16xi32>, vector<16xf32>, vector<16xf32>, vector<16xf32>, vector<16xf32>, vector<16xf32>, vector<16xf32>, vector<16xf32>, vector<16xf32>
      }
      %scan3A_452 = arith.constant 64 : i32
      %add3A_453 = arith.addf %scan3A_451#6, %scan3A_451#7 : vector<16xf32>
      %add3A_454 = arith.addf %scan3A_451#8, %scan3A_451#9 : vector<16xf32>
      %add3A_455 = arith.addf %add3A_453, %add3A_454 : vector<16xf32>
      %xor3A_456 = arith.constant 8 : i32
      %xor3A_457 = vector.broadcast %xor3A_456 : i32 to vector<16xi32>
      %xor3A_458 = arith.xori %iota3A, %xor3A_457 : vector<16xi32>
      %broadcast_in_dim3A_459 = vector.shape_cast %xor3A_458 : vector<16xi32> to vector<16x1xi32>
      %gather3A_460 = vector.shape_cast %broadcast_in_dim3A_459 : vector<16x1xi32> to vector<16xi32>
      %gather3A_461 = tpu.dynamic_gather %add3A_455[%gather3A_460] in [0] : vector<16xf32>, vector<16xi32> -> vector<16xf32>
      %add3A_462 = arith.addf %add3A_455, %gather3A_461 : vector<16xf32>
      %xor3A_463 = arith.constant 4 : i32
      %xor3A_464 = vector.broadcast %xor3A_463 : i32 to vector<16xi32>
      %xor3A_465 = arith.xori %iota3A, %xor3A_464 : vector<16xi32>
      %broadcast_in_dim3A_466 = vector.shape_cast %xor3A_465 : vector<16xi32> to vector<16x1xi32>
      %gather3A_467 = vector.shape_cast %broadcast_in_dim3A_466 : vector<16x1xi32> to vector<16xi32>
      %gather3A_468 = tpu.dynamic_gather %add3A_462[%gather3A_467] in [0] : vector<16xf32>, vector<16xi32> -> vector<16xf32>
      %add3A_469 = arith.addf %add3A_462, %gather3A_468 : vector<16xf32>
      %xor3A_470 = arith.constant 2 : i32
      %xor3A_471 = vector.broadcast %xor3A_470 : i32 to vector<16xi32>
      %xor3A_472 = arith.xori %iota3A, %xor3A_471 : vector<16xi32>
      %broadcast_in_dim3A_473 = vector.shape_cast %xor3A_472 : vector<16xi32> to vector<16x1xi32>
      %gather3A_474 = vector.shape_cast %broadcast_in_dim3A_473 : vector<16x1xi32> to vector<16xi32>
      %gather3A_475 = tpu.dynamic_gather %add3A_469[%gather3A_474] in [0] : vector<16xf32>, vector<16xi32> -> vector<16xf32>
      %add3A_476 = arith.addf %add3A_469, %gather3A_475 : vector<16xf32>
      %xor3A_477 = arith.constant 1 : i32
      %xor3A_478 = vector.broadcast %xor3A_477 : i32 to vector<16xi32>
      %xor3A_479 = arith.xori %iota3A, %xor3A_478 : vector<16xi32>
      %broadcast_in_dim3A_480 = vector.shape_cast %xor3A_479 : vector<16xi32> to vector<16x1xi32>
      %gather3A_481 = vector.shape_cast %broadcast_in_dim3A_480 : vector<16x1xi32> to vector<16xi32>
      %gather3A_482 = tpu.dynamic_gather %add3A_476[%gather3A_481] in [0] : vector<16xf32>, vector<16xi32> -> vector<16xf32>
      %add3A_483 = arith.addf %add3A_476, %gather3A_482 : vector<16xf32>
      %add3A_484 = arith.addf %scan3A_451#10, %scan3A_451#11 : vector<16xf32>
      %add3A_485 = arith.addf %scan3A_451#12, %scan3A_451#13 : vector<16xf32>
      %add3A_486 = arith.addf %add3A_484, %add3A_485 : vector<16xf32>
      %xor3A_487 = arith.constant 8 : i32
      %xor3A_488 = vector.broadcast %xor3A_487 : i32 to vector<16xi32>
      %xor3A_489 = arith.xori %iota3A, %xor3A_488 : vector<16xi32>
      %broadcast_in_dim3A_490 = vector.shape_cast %xor3A_489 : vector<16xi32> to vector<16x1xi32>
      %gather3A_491 = vector.shape_cast %broadcast_in_dim3A_490 : vector<16x1xi32> to vector<16xi32>
      %gather3A_492 = tpu.dynamic_gather %add3A_486[%gather3A_491] in [0] : vector<16xf32>, vector<16xi32> -> vector<16xf32>
      %add3A_493 = arith.addf %add3A_486, %gather3A_492 : vector<16xf32>
      %xor3A_494 = arith.constant 4 : i32
      %xor3A_495 = vector.broadcast %xor3A_494 : i32 to vector<16xi32>
      %xor3A_496 = arith.xori %iota3A, %xor3A_495 : vector<16xi32>
      %broadcast_in_dim3A_497 = vector.shape_cast %xor3A_496 : vector<16xi32> to vector<16x1xi32>
      %gather3A_498 = vector.shape_cast %broadcast_in_dim3A_497 : vector<16x1xi32> to vector<16xi32>
      %gather3A_499 = tpu.dynamic_gather %add3A_493[%gather3A_498] in [0] : vector<16xf32>, vector<16xi32> -> vector<16xf32>
      %add3A_500 = arith.addf %add3A_493, %gather3A_499 : vector<16xf32>
      %xor3A_501 = arith.constant 2 : i32
      %xor3A_502 = vector.broadcast %xor3A_501 : i32 to vector<16xi32>
      %xor3A_503 = arith.xori %iota3A, %xor3A_502 : vector<16xi32>
      %broadcast_in_dim3A_504 = vector.shape_cast %xor3A_503 : vector<16xi32> to vector<16x1xi32>
      %gather3A_505 = vector.shape_cast %broadcast_in_dim3A_504 : vector<16x1xi32> to vector<16xi32>
      %gather3A_506 = tpu.dynamic_gather %add3A_500[%gather3A_505] in [0] : vector<16xf32>, vector<16xi32> -> vector<16xf32>
      %add3A_507 = arith.addf %add3A_500, %gather3A_506 : vector<16xf32>
      %xor3A_508 = arith.constant 1 : i32
      %xor3A_509 = vector.broadcast %xor3A_508 : i32 to vector<16xi32>
      %xor3A_510 = arith.xori %iota3A, %xor3A_509 : vector<16xi32>
      %broadcast_in_dim3A_511 = vector.shape_cast %xor3A_510 : vector<16xi32> to vector<16x1xi32>
      %gather3A_512 = vector.shape_cast %broadcast_in_dim3A_511 : vector<16x1xi32> to vector<16xi32>
      %gather3A_513 = tpu.dynamic_gather %add3A_507[%gather3A_512] in [0] : vector<16xf32>, vector<16xi32> -> vector<16xf32>
      %add3A_514 = arith.addf %add3A_507, %gather3A_513 : vector<16xf32>
      %add3A_515 = arith.constant 8 : i32
      %add3A_516 = arith.addi %add3A_515, %scan3A_434 : i32
      %sub3A_517 = arith.constant 1 : i32
      %sub3A_518 = arith.subi %add3A_516, %sub3A_517 : i32
      %eq3A_519 = vector.broadcast %sub3A_518 : i32 to vector<16xi32>
      %eq3A_520 = arith.cmpi eq, %iota3A, %eq3A_519 : vector<16xi32>
      %select_n3A_521 = arith.select %eq3A_520, %scan3A_439, %scan3A_435 : vector<16xi1>, vector<16xf32>
      %select_n3A_522 = arith.select %eq3A_520, %add3A_483, %scan3A_436 : vector<16xi1>, vector<16xf32>
      %select_n3A_523 = arith.select %eq3A_520, %add3A_514, %scan3A_437 : vector<16xi1>, vector<16xf32>
      %select_n3A_524 = arith.select %eq3A_520, %scan3A_440, %scan3A_438 : vector<16xi1>, vector<16xf32>
      %max3A_525 = arith.maximumf %scan3A_451#0, %scan3A_451#1 : vector<16xf32>
      %max3A_526 = arith.maximumf %scan3A_451#2, %scan3A_451#3 : vector<16xf32>
      %max3A_527 = arith.maximumf %max3A_525, %max3A_526 : vector<16xf32>
      %xor3A_528 = arith.constant 8 : i32
      %xor3A_529 = vector.broadcast %xor3A_528 : i32 to vector<16xi32>
      %xor3A_530 = arith.xori %iota3A, %xor3A_529 : vector<16xi32>
      %broadcast_in_dim3A_531 = vector.shape_cast %xor3A_530 : vector<16xi32> to vector<16x1xi32>
      %gather3A_532 = vector.shape_cast %broadcast_in_dim3A_531 : vector<16x1xi32> to vector<16xi32>
      %gather3A_533 = tpu.dynamic_gather %max3A_527[%gather3A_532] in [0] : vector<16xf32>, vector<16xi32> -> vector<16xf32>
      %max3A_534 = arith.maximumf %max3A_527, %gather3A_533 : vector<16xf32>
      %xor3A_535 = arith.constant 4 : i32
      %xor3A_536 = vector.broadcast %xor3A_535 : i32 to vector<16xi32>
      %xor3A_537 = arith.xori %iota3A, %xor3A_536 : vector<16xi32>
      %broadcast_in_dim3A_538 = vector.shape_cast %xor3A_537 : vector<16xi32> to vector<16x1xi32>
      %gather3A_539 = vector.shape_cast %broadcast_in_dim3A_538 : vector<16x1xi32> to vector<16xi32>
      %gather3A_540 = tpu.dynamic_gather %max3A_534[%gather3A_539] in [0] : vector<16xf32>, vector<16xi32> -> vector<16xf32>
      %max3A_541 = arith.maximumf %max3A_534, %gather3A_540 : vector<16xf32>
      %xor3A_542 = arith.constant 2 : i32
      %xor3A_543 = vector.broadcast %xor3A_542 : i32 to vector<16xi32>
      %xor3A_544 = arith.xori %iota3A, %xor3A_543 : vector<16xi32>
      %broadcast_in_dim3A_545 = vector.shape_cast %xor3A_544 : vector<16xi32> to vector<16x1xi32>
      %gather3A_546 = vector.shape_cast %broadcast_in_dim3A_545 : vector<16x1xi32> to vector<16xi32>
      %gather3A_547 = tpu.dynamic_gather %max3A_541[%gather3A_546] in [0] : vector<16xf32>, vector<16xi32> -> vector<16xf32>
      %max3A_548 = arith.maximumf %max3A_541, %gather3A_547 : vector<16xf32>
      %xor3A_549 = arith.constant 1 : i32
      %xor3A_550 = vector.broadcast %xor3A_549 : i32 to vector<16xi32>
      %xor3A_551 = arith.xori %iota3A, %xor3A_550 : vector<16xi32>
      %broadcast_in_dim3A_552 = vector.shape_cast %xor3A_551 : vector<16xi32> to vector<16x1xi32>
      %gather3A_553 = vector.shape_cast %broadcast_in_dim3A_552 : vector<16x1xi32> to vector<16xi32>
      %gather3A_554 = tpu.dynamic_gather %max3A_548[%gather3A_553] in [0] : vector<16xf32>, vector<16xi32> -> vector<16xf32>
      %max3A_555 = arith.maximumf %max3A_548, %gather3A_554 : vector<16xf32>
      %and3A_556 = arith.constant 15 : i32
      %and3A_557 = vector.broadcast %and3A_556 : i32 to vector<16xi32>
      %and3A_558 = arith.andi %gather3A_446, %and3A_557 : vector<16xi32>
      %broadcast_in_dim3A_559 = vector.shape_cast %and3A_558 : vector<16xi32> to vector<16x1xi32>
      %gather3A_560 = vector.shape_cast %broadcast_in_dim3A_559 : vector<16x1xi32> to vector<16xi32>
      %gather3A_561 = tpu.dynamic_gather %scan3A_451#4[%gather3A_560] in [0] : vector<16xf32>, vector<16xi32> -> vector<16xf32>
      scf.yield %select_n3A_521, %select_n3A_522, %select_n3A_523, %select_n3A_524, %max3A_555, %gather3A_561 : vector<16xf32>, vector<16xf32>, vector<16xf32>, vector<16xf32>, vector<16xf32>, vector<16xf32>
    }
    %scan3A_242 = arith.constant 7 : i32
    %scan3A_243 = arith.constant 0 : i32
    %scan3A_244 = arith.constant 64 : i32
    %scan3A_245 = arith.addi %scan3A_243, %scan3A_244 : i32
    %scan3A_246 = arith.constant 1 : i32
    %scan3A_247:8 = scf.for %scan3A_434 = %scan3A_243 to %scan3A_245 step %scan3A_246 iter_args(%scan3A_435 = %broadcast_in_dim3A_180, %scan3A_436 = %broadcast_in_dim3A_180, %scan3A_437 = %broadcast_in_dim3A_180, %scan3A_438 = %broadcast_in_dim3A_180, %scan3A_439 = %broadcast_in_dim3A_180, %scan3A_440 = %broadcast_in_dim3A_180, %scan3A_441 = %broadcast_in_dim3A_180, %scan3A_442 = %broadcast_in_dim3A_180) -> (vector<16xf32>, vector<16xf32>, vector<16xf32>, vector<16xf32>, vector<16xf32>, vector<16xf32>, vector<16xf32>, vector<16xf32>)  : i32 {
      %mul3A_443 = arith.constant 64 : i32
      %mul3A_444 = arith.muli %scan3A_434, %mul3A_443 : i32
      %add3A_445 = arith.constant 28672 : i32
      %add3A_446 = arith.addi %add3A_445, %mul3A_444 : i32
      %add3A_447 = arith.constant 0 : i32
      %add3A_448 = arith.addi %add3A_446, %add3A_447 : i32
      %get3A_449 = arith.index_cast %add3A_448 : i32 to index
      %get3A_450 = tpu.vector_load %arg6[%get3A_449] {strides = array<i32>} : memref<32768xf32, #tpu.memory_space<vmem>>, vector<16xf32>,
      %get3A_451 = vector.shape_cast %get3A_450 : vector<16xf32> to vector<16xf32>
      %sub3A_452 = arith.subf %get3A_451, %scan3A_241#4 : vector<16xf32>
      %exp3A_453 = math.exp %sub3A_452 : vector<16xf32>
      %add3A_454 = arith.addf %scan3A_435, %exp3A_453 : vector<16xf32>
      %mul3A_455 = arith.mulf %sub3A_452, %exp3A_453 : vector<16xf32>
      %add3A_456 = arith.addf %scan3A_439, %mul3A_455 : vector<16xf32>
      %add3A_457 = arith.constant 16 : i32
      %add3A_458 = arith.addi %add3A_446, %add3A_457 : i32
      %get3A_459 = arith.index_cast %add3A_458 : i32 to index
      %get3A_460 = tpu.vector_load %arg6[%get3A_459] {strides = array<i32>} : memref<32768xf32, #tpu.memory_space<vmem>>, vector<16xf32>,
      %get3A_461 = vector.shape_cast %get3A_460 : vector<16xf32> to vector<16xf32>
      %sub3A_462 = arith.subf %get3A_461, %scan3A_241#4 : vector<16xf32>
      %exp3A_463 = math.exp %sub3A_462 : vector<16xf32>
      %add3A_464 = arith.addf %scan3A_436, %exp3A_463 : vector<16xf32>
      %mul3A_465 = arith.mulf %sub3A_462, %exp3A_463 : vector<16xf32>
      %add3A_466 = arith.addf %scan3A_440, %mul3A_465 : vector<16xf32>
      %add3A_467 = arith.constant 32 : i32
      %add3A_468 = arith.addi %add3A_446, %add3A_467 : i32
      %get3A_469 = arith.index_cast %add3A_468 : i32 to index
      %get3A_470 = tpu.vector_load %arg6[%get3A_469] {strides = array<i32>} : memref<32768xf32, #tpu.memory_space<vmem>>, vector<16xf32>,
      %get3A_471 = vector.shape_cast %get3A_470 : vector<16xf32> to vector<16xf32>
      %sub3A_472 = arith.subf %get3A_471, %scan3A_241#4 : vector<16xf32>
      %exp3A_473 = math.exp %sub3A_472 : vector<16xf32>
      %add3A_474 = arith.addf %scan3A_437, %exp3A_473 : vector<16xf32>
      %mul3A_475 = arith.mulf %sub3A_472, %exp3A_473 : vector<16xf32>
      %add3A_476 = arith.addf %scan3A_441, %mul3A_475 : vector<16xf32>
      %add3A_477 = arith.constant 48 : i32
      %add3A_478 = arith.addi %add3A_446, %add3A_477 : i32
      %get3A_479 = arith.index_cast %add3A_478 : i32 to index
      %get3A_480 = tpu.vector_load %arg6[%get3A_479] {strides = array<i32>} : memref<32768xf32, #tpu.memory_space<vmem>>, vector<16xf32>,
      %get3A_481 = vector.shape_cast %get3A_480 : vector<16xf32> to vector<16xf32>
      %sub3A_482 = arith.subf %get3A_481, %scan3A_241#4 : vector<16xf32>
      %exp3A_483 = math.exp %sub3A_482 : vector<16xf32>
      %add3A_484 = arith.addf %scan3A_438, %exp3A_483 : vector<16xf32>
      %mul3A_485 = arith.mulf %sub3A_482, %exp3A_483 : vector<16xf32>
      %add3A_486 = arith.addf %scan3A_442, %mul3A_485 : vector<16xf32>
      scf.yield %add3A_454, %add3A_464, %add3A_474, %add3A_484, %add3A_456, %add3A_466, %add3A_476, %add3A_486 : vector<16xf32>, vector<16xf32>, vector<16xf32>, vector<16xf32>, vector<16xf32>, vector<16xf32>, vector<16xf32>, vector<16xf32>
    }
    %scan3A_248 = arith.constant 64 : i32
    %add3A_249 = arith.addf %scan3A_247#0, %scan3A_247#1 : vector<16xf32>
    %add3A_250 = arith.addf %scan3A_247#2, %scan3A_247#3 : vector<16xf32>
    %add3A_251 = arith.addf %add3A_249, %add3A_250 : vector<16xf32>
    %xor3A_252 = arith.constant 8 : i32
    %xor3A_253 = vector.broadcast %xor3A_252 : i32 to vector<16xi32>
    %xor3A_254 = arith.xori %iota3A, %xor3A_253 : vector<16xi32>
    %broadcast_in_dim3A_255 = vector.shape_cast %xor3A_254 : vector<16xi32> to vector<16x1xi32>
    %gather3A_256 = vector.shape_cast %broadcast_in_dim3A_255 : vector<16x1xi32> to vector<16xi32>
    %gather3A_257 = tpu.dynamic_gather %add3A_251[%gather3A_256] in [0] : vector<16xf32>, vector<16xi32> -> vector<16xf32>
    %add3A_258 = arith.addf %add3A_251, %gather3A_257 : vector<16xf32>
    %xor3A_259 = arith.constant 4 : i32
    %xor3A_260 = vector.broadcast %xor3A_259 : i32 to vector<16xi32>
    %xor3A_261 = arith.xori %iota3A, %xor3A_260 : vector<16xi32>
    %broadcast_in_dim3A_262 = vector.shape_cast %xor3A_261 : vector<16xi32> to vector<16x1xi32>
    %gather3A_263 = vector.shape_cast %broadcast_in_dim3A_262 : vector<16x1xi32> to vector<16xi32>
    %gather3A_264 = tpu.dynamic_gather %add3A_258[%gather3A_263] in [0] : vector<16xf32>, vector<16xi32> -> vector<16xf32>
    %add3A_265 = arith.addf %add3A_258, %gather3A_264 : vector<16xf32>
    %xor3A_266 = arith.constant 2 : i32
    %xor3A_267 = vector.broadcast %xor3A_266 : i32 to vector<16xi32>
    %xor3A_268 = arith.xori %iota3A, %xor3A_267 : vector<16xi32>
    %broadcast_in_dim3A_269 = vector.shape_cast %xor3A_268 : vector<16xi32> to vector<16x1xi32>
    %gather3A_270 = vector.shape_cast %broadcast_in_dim3A_269 : vector<16x1xi32> to vector<16xi32>
    %gather3A_271 = tpu.dynamic_gather %add3A_265[%gather3A_270] in [0] : vector<16xf32>, vector<16xi32> -> vector<16xf32>
    %add3A_272 = arith.addf %add3A_265, %gather3A_271 : vector<16xf32>
    %xor3A_273 = arith.constant 1 : i32
    %xor3A_274 = vector.broadcast %xor3A_273 : i32 to vector<16xi32>
    %xor3A_275 = arith.xori %iota3A, %xor3A_274 : vector<16xi32>
    %broadcast_in_dim3A_276 = vector.shape_cast %xor3A_275 : vector<16xi32> to vector<16x1xi32>
    %gather3A_277 = vector.shape_cast %broadcast_in_dim3A_276 : vector<16x1xi32> to vector<16xi32>
    %gather3A_278 = tpu.dynamic_gather %add3A_272[%gather3A_277] in [0] : vector<16xf32>, vector<16xi32> -> vector<16xf32>
    %add3A_279 = arith.addf %add3A_272, %gather3A_278 : vector<16xf32>
    %add3A_280 = arith.addf %scan3A_247#4, %scan3A_247#5 : vector<16xf32>
    %add3A_281 = arith.addf %scan3A_247#6, %scan3A_247#7 : vector<16xf32>
    %add3A_282 = arith.addf %add3A_280, %add3A_281 : vector<16xf32>
    %xor3A_283 = arith.constant 8 : i32
    %xor3A_284 = vector.broadcast %xor3A_283 : i32 to vector<16xi32>
    %xor3A_285 = arith.xori %iota3A, %xor3A_284 : vector<16xi32>
    %broadcast_in_dim3A_286 = vector.shape_cast %xor3A_285 : vector<16xi32> to vector<16x1xi32>
    %gather3A_287 = vector.shape_cast %broadcast_in_dim3A_286 : vector<16x1xi32> to vector<16xi32>
    %gather3A_288 = tpu.dynamic_gather %add3A_282[%gather3A_287] in [0] : vector<16xf32>, vector<16xi32> -> vector<16xf32>
    %add3A_289 = arith.addf %add3A_282, %gather3A_288 : vector<16xf32>
    %xor3A_290 = arith.constant 4 : i32
    %xor3A_291 = vector.broadcast %xor3A_290 : i32 to vector<16xi32>
    %xor3A_292 = arith.xori %iota3A, %xor3A_291 : vector<16xi32>
    %broadcast_in_dim3A_293 = vector.shape_cast %xor3A_292 : vector<16xi32> to vector<16x1xi32>
    %gather3A_294 = vector.shape_cast %broadcast_in_dim3A_293 : vector<16x1xi32> to vector<16xi32>
    %gather3A_295 = tpu.dynamic_gather %add3A_289[%gather3A_294] in [0] : vector<16xf32>, vector<16xi32> -> vector<16xf32>
    %add3A_296 = arith.addf %add3A_289, %gather3A_295 : vector<16xf32>
    %xor3A_297 = arith.constant 2 : i32
    %xor3A_298 = vector.broadcast %xor3A_297 : i32 to vector<16xi32>
    %xor3A_299 = arith.xori %iota3A, %xor3A_298 : vector<16xi32>
    %broadcast_in_dim3A_300 = vector.shape_cast %xor3A_299 : vector<16xi32> to vector<16x1xi32>
    %gather3A_301 = vector.shape_cast %broadcast_in_dim3A_300 : vector<16x1xi32> to vector<16xi32>
    %gather3A_302 = tpu.dynamic_gather %add3A_296[%gather3A_301] in [0] : vector<16xf32>, vector<16xi32> -> vector<16xf32>
    %add3A_303 = arith.addf %add3A_296, %gather3A_302 : vector<16xf32>
    %xor3A_304 = arith.constant 1 : i32
    %xor3A_305 = vector.broadcast %xor3A_304 : i32 to vector<16xi32>
    %xor3A_306 = arith.xori %iota3A, %xor3A_305 : vector<16xi32>
    %broadcast_in_dim3A_307 = vector.shape_cast %xor3A_306 : vector<16xi32> to vector<16x1xi32>
    %gather3A_308 = vector.shape_cast %broadcast_in_dim3A_307 : vector<16x1xi32> to vector<16xi32>
    %gather3A_309 = tpu.dynamic_gather %add3A_303[%gather3A_308] in [0] : vector<16xf32>, vector<16xi32> -> vector<16xf32>
    %add3A_310 = arith.addf %add3A_303, %gather3A_309 : vector<16xf32>
    %eq3A_311 = arith.constant 15 : i32
    %eq3A_312 = vector.broadcast %eq3A_311 : i32 to vector<16xi32>
    %eq3A_313 = arith.cmpi eq, %iota3A, %eq3A_312 : vector<16xi32>
    %select_n3A_314 = arith.select %eq3A_313, %scan3A_241#4, %scan3A_241#0 : vector<16xi1>, vector<16xf32>
    %select_n3A_315 = arith.select %eq3A_313, %add3A_279, %scan3A_241#1 : vector<16xi1>, vector<16xf32>
    %select_n3A_316 = arith.select %eq3A_313, %add3A_310, %scan3A_241#2 : vector<16xi1>, vector<16xf32>
    %select_n3A_317 = arith.select %eq3A_313, %scan3A_241#5, %scan3A_241#3 : vector<16xi1>, vector<16xf32>
    %bitcast_convert_type3A = tpu.bitcast %select_n3A_315 : vector<16xf32> -> vector<16xi32>
    %shift_right_arithmetic3A = arith.constant 23 : i32
    %shift_right_arithmetic3A_318 = vector.broadcast %shift_right_arithmetic3A : i32 to vector<16xi32>
    %shift_right_arithmetic3A_319 = arith.shrsi %bitcast_convert_type3A, %shift_right_arithmetic3A_318 : vector<16xi32>
    %sub3A = arith.constant 127 : i32
    %sub3A_320 = vector.broadcast %sub3A : i32 to vector<16xi32>
    %sub3A_321 = arith.subi %shift_right_arithmetic3A_319, %sub3A_320 : vector<16xi32>
    %and3A_322 = arith.constant 8388607 : i32
    %and3A_323 = vector.broadcast %and3A_322 : i32 to vector<16xi32>
    %and3A_324 = arith.andi %bitcast_convert_type3A, %and3A_323 : vector<16xi32>
    %or3A = arith.constant 1065353216 : i32
    %or3A_325 = vector.broadcast %or3A : i32 to vector<16xi32>
    %or3A_326 = arith.ori %and3A_324, %or3A_325 : vector<16xi32>
    %bitcast_convert_type3A_327 = tpu.bitcast %or3A_326 : vector<16xi32> -> vector<16xf32>
    %sub3A_328 = arith.constant 1.000000e+00 : f32
    %sub3A_329 = vector.broadcast %sub3A_328 : f32 to vector<16xf32>
    %sub3A_330 = arith.subf %bitcast_convert_type3A_327, %sub3A_329 : vector<16xf32>
    %add3A_331 = arith.constant 2.000000e+00 : f32
    %add3A_332 = vector.broadcast %add3A_331 : f32 to vector<16xf32>
    %add3A_333 = arith.addf %sub3A_330, %add3A_332 : vector<16xf32>
    %div3A = arith.divf %sub3A_330, %add3A_333 : vector<16xf32>
    %mul3A_334 = arith.mulf %div3A, %div3A : vector<16xf32>
    %convert_element_type3A = arith.sitofp %sub3A_321 : vector<16xi32> to vector<16xf32>
    %mul3A_335 = arith.constant 0.693147182 : f32
    %mul3A_336 = vector.broadcast %mul3A_335 : f32 to vector<16xf32>
    %mul3A_337 = arith.mulf %convert_element_type3A, %mul3A_336 : vector<16xf32>
    %mul3A_338 = arith.constant 4.000000e-01 : f32
    %mul3A_339 = vector.broadcast %mul3A_338 : f32 to vector<16xf32>
    %mul3A_340 = arith.mulf %mul3A_334, %mul3A_339 : vector<16xf32>
    %add3A_341 = arith.constant 0.666666686 : f32
    %add3A_342 = vector.broadcast %add3A_341 : f32 to vector<16xf32>
    %add3A_343 = arith.addf %add3A_342, %mul3A_340 : vector<16xf32>
    %mul3A_344 = arith.mulf %mul3A_334, %add3A_343 : vector<16xf32>
    %add3A_345 = arith.constant 2.000000e+00 : f32
    %add3A_346 = vector.broadcast %add3A_345 : f32 to vector<16xf32>
    %add3A_347 = arith.addf %add3A_346, %mul3A_344 : vector<16xf32>
    %mul3A_348 = arith.mulf %div3A, %add3A_347 : vector<16xf32>
    %add3A_349 = arith.addf %mul3A_337, %mul3A_348 : vector<16xf32>
    %neg3A = arith.constant 0.000000e+00 : f32
    %neg3A_350 = vector.broadcast %neg3A : f32 to vector<16xf32>
    %neg3A_351 = arith.subf %neg3A_350, %add3A_349 : vector<16xf32>
    %exp3A = math.exp %neg3A_351 : vector<16xf32>
    %mul3A_352 = arith.mulf %select_n3A_315, %exp3A : vector<16xf32>
    %sub3A_353 = arith.constant 1.000000e+00 : f32
    %sub3A_354 = vector.broadcast %sub3A_353 : f32 to vector<16xf32>
    %sub3A_355 = arith.subf %mul3A_352, %sub3A_354 : vector<16xf32>
    %add3A_356 = arith.addf %add3A_349, %sub3A_355 : vector<16xf32>
    %neg3A_357 = arith.constant 0.000000e+00 : f32
    %neg3A_358 = vector.broadcast %neg3A_357 : f32 to vector<16xf32>
    %neg3A_359 = arith.subf %neg3A_358, %add3A_356 : vector<16xf32>
    %exp3A_360 = math.exp %neg3A_359 : vector<16xf32>
    %mul3A_361 = arith.mulf %select_n3A_315, %exp3A_360 : vector<16xf32>
    %sub3A_362 = arith.constant 1.000000e+00 : f32
    %sub3A_363 = vector.broadcast %sub3A_362 : f32 to vector<16xf32>
    %sub3A_364 = arith.subf %mul3A_361, %sub3A_363 : vector<16xf32>
    %add3A_365 = arith.addf %add3A_356, %sub3A_364 : vector<16xf32>
    %sub3A_366 = arith.subf %select_n3A_317, %select_n3A_314 : vector<16xf32>
    %sub3A_367 = arith.subf %sub3A_366, %add3A_365 : vector<16xf32>
    %div3A_368 = arith.divf %select_n3A_316, %select_n3A_315 : vector<16xf32>
    %sub3A_369 = arith.subf %add3A_365, %div3A_368 : vector<16xf32>
    %xor3A_370 = arith.constant 4 : i32
    %xor3A_371 = vector.broadcast %xor3A_370 : i32 to vector<16xi32>
    %xor3A_372 = arith.xori %iota3A, %xor3A_371 : vector<16xi32>
    %broadcast_in_dim3A_373 = vector.shape_cast %xor3A_372 : vector<16xi32> to vector<16x1xi32>
    %gather3A_374 = vector.shape_cast %broadcast_in_dim3A_373 : vector<16x1xi32> to vector<16xi32>
    %gather3A_375 = tpu.dynamic_gather %sub3A_367[%gather3A_374] in [0] : vector<16xf32>, vector<16xi32> -> vector<16xf32>
    %add3A_376 = arith.addf %sub3A_367, %gather3A_375 : vector<16xf32>
    %xor3A_377 = arith.constant 2 : i32
    %xor3A_378 = vector.broadcast %xor3A_377 : i32 to vector<16xi32>
    %xor3A_379 = arith.xori %iota3A, %xor3A_378 : vector<16xi32>
    %broadcast_in_dim3A_380 = vector.shape_cast %xor3A_379 : vector<16xi32> to vector<16x1xi32>
    %gather3A_381 = vector.shape_cast %broadcast_in_dim3A_380 : vector<16x1xi32> to vector<16xi32>
    %gather3A_382 = tpu.dynamic_gather %add3A_376[%gather3A_381] in [0] : vector<16xf32>, vector<16xi32> -> vector<16xf32>
    %add3A_383 = arith.addf %add3A_376, %gather3A_382 : vector<16xf32>
    %xor3A_384 = arith.constant 1 : i32
    %xor3A_385 = vector.broadcast %xor3A_384 : i32 to vector<16xi32>
    %xor3A_386 = arith.xori %iota3A, %xor3A_385 : vector<16xi32>
    %broadcast_in_dim3A_387 = vector.shape_cast %xor3A_386 : vector<16xi32> to vector<16x1xi32>
    %gather3A_388 = vector.shape_cast %broadcast_in_dim3A_387 : vector<16x1xi32> to vector<16xi32>
    %gather3A_389 = tpu.dynamic_gather %add3A_383[%gather3A_388] in [0] : vector<16xf32>, vector<16xi32> -> vector<16xf32>
    %add3A_390 = arith.addf %add3A_383, %gather3A_389 : vector<16xf32>
    %xor3A_391 = arith.constant 4 : i32
    %xor3A_392 = vector.broadcast %xor3A_391 : i32 to vector<16xi32>
    %xor3A_393 = arith.xori %iota3A, %xor3A_392 : vector<16xi32>
    %broadcast_in_dim3A_394 = vector.shape_cast %xor3A_393 : vector<16xi32> to vector<16x1xi32>
    %gather3A_395 = vector.shape_cast %broadcast_in_dim3A_394 : vector<16x1xi32> to vector<16xi32>
    %gather3A_396 = tpu.dynamic_gather %sub3A_369[%gather3A_395] in [0] : vector<16xf32>, vector<16xi32> -> vector<16xf32>
    %add3A_397 = arith.addf %sub3A_369, %gather3A_396 : vector<16xf32>
    %xor3A_398 = arith.constant 2 : i32
    %xor3A_399 = vector.broadcast %xor3A_398 : i32 to vector<16xi32>
    %xor3A_400 = arith.xori %iota3A, %xor3A_399 : vector<16xi32>
    %broadcast_in_dim3A_401 = vector.shape_cast %xor3A_400 : vector<16xi32> to vector<16x1xi32>
    %gather3A_402 = vector.shape_cast %broadcast_in_dim3A_401 : vector<16x1xi32> to vector<16xi32>
    %gather3A_403 = tpu.dynamic_gather %add3A_397[%gather3A_402] in [0] : vector<16xf32>, vector<16xi32> -> vector<16xf32>
    %add3A_404 = arith.addf %add3A_397, %gather3A_403 : vector<16xf32>
    %xor3A_405 = arith.constant 1 : i32
    %xor3A_406 = vector.broadcast %xor3A_405 : i32 to vector<16xi32>
    %xor3A_407 = arith.xori %iota3A, %xor3A_406 : vector<16xi32>
    %broadcast_in_dim3A_408 = vector.shape_cast %xor3A_407 : vector<16xi32> to vector<16x1xi32>
    %gather3A_409 = vector.shape_cast %broadcast_in_dim3A_408 : vector<16x1xi32> to vector<16xi32>
    %gather3A_410 = tpu.dynamic_gather %add3A_404[%gather3A_409] in [0] : vector<16xf32>, vector<16xi32> -> vector<16xf32>
    %add3A_411 = arith.addf %add3A_404, %gather3A_410 : vector<16xf32>
    %shift_right_arithmetic3A_412 = arith.constant 1 : i32
    %shift_right_arithmetic3A_413 = vector.broadcast %shift_right_arithmetic3A_412 : i32 to vector<16xi32>
    %shift_right_arithmetic3A_414 = arith.shrsi %iota3A, %shift_right_arithmetic3A_413 : vector<16xi32>
    %eq3A_415 = arith.constant 0 : i32
    %eq3A_416 = vector.broadcast %eq3A_415 : i32 to vector<16xi32>
    %eq3A_417 = arith.cmpi eq, %shift_right_arithmetic3A_414, %eq3A_416 : vector<16xi32>
    %broadcast_in_dim3A_418 = vector.shape_cast %mul3A_27 : vector<16xi32> to vector<16x1xi32>
    %gather3A_419 = vector.shape_cast %broadcast_in_dim3A_418 : vector<16x1xi32> to vector<16xi32>
    %gather3A_420 = tpu.dynamic_gather %add3A_390[%gather3A_419] in [0] : vector<16xf32>, vector<16xi32> -> vector<16xf32>
    %select_n3A_421 = arith.select %eq3A_417, %gather3A_420, %broadcast_in_dim3A_20 : vector<16xi1>, vector<16xf32>
    %broadcast_in_dim3A_422 = vector.shape_cast %mul3A_27 : vector<16xi32> to vector<16x1xi32>
    %gather3A_423 = vector.shape_cast %broadcast_in_dim3A_422 : vector<16x1xi32> to vector<16xi32>
    %gather3A_424 = tpu.dynamic_gather %add3A_411[%gather3A_423] in [0] : vector<16xf32>, vector<16xi32> -> vector<16xf32>
    %select_n3A_425 = arith.select %eq3A_417, %gather3A_424, %broadcast_in_dim3A_22 : vector<16xi1>, vector<16xf32>
    %swap3A = arith.constant 0 : index
    %swap3A_426 = tpu.vector_load %arg8[%swap3A] {strides = array<i32>} : memref<16xf32, #tpu.memory_space<vmem>>, vector<16xf32>,
    %swap3A_427 = vector.shape_cast %swap3A_426 : vector<16xf32> to vector<16xf32>
    %swap3A_428 = vector.shape_cast %select_n3A_421 : vector<16xf32> to vector<16xf32>
    tpu.vector_store %arg8[%swap3A], %swap3A_428 {strides = array<i32>} : memref<16xf32, #tpu.memory_space<vmem>>, vector<16xf32>,
    %swap3A_429 = arith.constant 0 : index
    %swap3A_430 = tpu.vector_load %arg9[%swap3A_429] {strides = array<i32>} : memref<16xf32, #tpu.memory_space<vmem>>, vector<16xf32>,
    %swap3A_431 = vector.shape_cast %swap3A_430 : vector<16xf32> to vector<16xf32>
    %swap3A_432 = vector.shape_cast %select_n3A_425 : vector<16xf32> to vector<16xf32>
    tpu.vector_store %arg9[%swap3A_429], %swap3A_432 {strides = array<i32>} : memref<16xf32, #tpu.memory_space<vmem>>, vector<16xf32>,
    %run_scoped3A = arith.constant 0 : i32
    "tpu.region"() ({
      %run_scoped3A_434 = tpu.sem_alloc : memref<!tpu.dma_semaphore, #tpu.memory_space<semaphore_mem>>
      %dma_start3A_435 = arith.constant 0 : i32
      %dma_start3A_436 = tpu.memref_slice %arg4[%run_scoped3A, %add3A, %dma_start3A_435] : memref<2x32x16xf32, #tpu.memory_space<hbm>> -> memref<1x1x16xf32, #tpu.memory_space<hbm>>
      %dma_start3A_437 = tpu.memref_squeeze %dma_start3A_436 : memref<1x1x16xf32, #tpu.memory_space<hbm>> -> memref<16xf32, #tpu.memory_space<hbm>>
      %dma_start3A_438 = arith.constant 0 : i32
      %dma_start3A_439 = tpu.memref_slice %arg4[%run_scoped3A, %add3A, %dma_start3A_438] : memref<2x32x16xf32, #tpu.memory_space<hbm>> -> memref<1x1x16xf32, #tpu.memory_space<hbm>>
      %dma_start3A_440 = tpu.memref_squeeze %dma_start3A_439 : memref<1x1x16xf32, #tpu.memory_space<hbm>> -> memref<16xf32, #tpu.memory_space<hbm>>
      tpu.enqueue_dma source(%arg8 : memref<16xf32, #tpu.memory_space<vmem>>) target(%dma_start3A_440 : memref<16xf32, #tpu.memory_space<hbm>>) target_semaphore(%run_scoped3A_434 : memref<!tpu.dma_semaphore, #tpu.memory_space<semaphore_mem>>)
      %dma_wait3A_441 = arith.constant 0 : i32
      %dma_wait3A_442 = tpu.memref_slice %arg4[%run_scoped3A, %add3A, %dma_wait3A_441] : memref<2x32x16xf32, #tpu.memory_space<hbm>> -> memref<1x1x16xf32, #tpu.memory_space<hbm>>
      %dma_wait3A_443 = tpu.memref_squeeze %dma_wait3A_442 : memref<1x1x16xf32, #tpu.memory_space<hbm>> -> memref<16xf32, #tpu.memory_space<hbm>>
      %dma_wait3A_444 = arith.constant 0 : i32
      %dma_wait3A_445 = tpu.memref_slice %arg4[%run_scoped3A, %add3A, %dma_wait3A_444] : memref<2x32x16xf32, #tpu.memory_space<hbm>> -> memref<1x1x16xf32, #tpu.memory_space<hbm>>
      %dma_wait3A_446 = tpu.memref_squeeze %dma_wait3A_445 : memref<1x1x16xf32, #tpu.memory_space<hbm>> -> memref<16xf32, #tpu.memory_space<hbm>>
      tpu.wait_dma2 semaphore(%run_scoped3A_434 : memref<!tpu.dma_semaphore, #tpu.memory_space<semaphore_mem>>) src(%arg8 : memref<16xf32, #tpu.memory_space<vmem>>) dst(%dma_wait3A_446 : memref<16xf32, #tpu.memory_space<hbm>>)
      tpu.yield
    }) : () -> ()
    %run_scoped3A_433 = arith.constant 1 : i32
    "tpu.region"() ({
      %run_scoped3A_434 = tpu.sem_alloc : memref<!tpu.dma_semaphore, #tpu.memory_space<semaphore_mem>>
      %dma_start3A_435 = arith.constant 0 : i32
      %dma_start3A_436 = tpu.memref_slice %arg4[%run_scoped3A_433, %add3A, %dma_start3A_435] : memref<2x32x16xf32, #tpu.memory_space<hbm>> -> memref<1x1x16xf32, #tpu.memory_space<hbm>>
      %dma_start3A_437 = tpu.memref_squeeze %dma_start3A_436 : memref<1x1x16xf32, #tpu.memory_space<hbm>> -> memref<16xf32, #tpu.memory_space<hbm>>
      %dma_start3A_438 = arith.constant 0 : i32
      %dma_start3A_439 = tpu.memref_slice %arg4[%run_scoped3A_433, %add3A, %dma_start3A_438] : memref<2x32x16xf32, #tpu.memory_space<hbm>> -> memref<1x1x16xf32, #tpu.memory_space<hbm>>
      %dma_start3A_440 = tpu.memref_squeeze %dma_start3A_439 : memref<1x1x16xf32, #tpu.memory_space<hbm>> -> memref<16xf32, #tpu.memory_space<hbm>>
      tpu.enqueue_dma source(%arg9 : memref<16xf32, #tpu.memory_space<vmem>>) target(%dma_start3A_440 : memref<16xf32, #tpu.memory_space<hbm>>) target_semaphore(%run_scoped3A_434 : memref<!tpu.dma_semaphore, #tpu.memory_space<semaphore_mem>>)
      %dma_wait3A_441 = arith.constant 0 : i32
      %dma_wait3A_442 = tpu.memref_slice %arg4[%run_scoped3A_433, %add3A, %dma_wait3A_441] : memref<2x32x16xf32, #tpu.memory_space<hbm>> -> memref<1x1x16xf32, #tpu.memory_space<hbm>>
      %dma_wait3A_443 = tpu.memref_squeeze %dma_wait3A_442 : memref<1x1x16xf32, #tpu.memory_space<hbm>> -> memref<16xf32, #tpu.memory_space<hbm>>
      %dma_wait3A_444 = arith.constant 0 : i32
      %dma_wait3A_445 = tpu.memref_slice %arg4[%run_scoped3A_433, %add3A, %dma_wait3A_444] : memref<2x32x16xf32, #tpu.memory_space<hbm>> -> memref<1x1x16xf32, #tpu.memory_space<hbm>>
      %dma_wait3A_446 = tpu.memref_squeeze %dma_wait3A_445 : memref<1x1x16xf32, #tpu.memory_space<hbm>> -> memref<16xf32, #tpu.memory_space<hbm>>
      tpu.wait_dma2 semaphore(%run_scoped3A_434 : memref<!tpu.dma_semaphore, #tpu.memory_space<semaphore_mem>>) src(%arg9 : memref<16xf32, #tpu.memory_space<vmem>>) dst(%dma_wait3A_446 : memref<16xf32, #tpu.memory_space<hbm>>)
      tpu.yield
    }) : () -> ()
    return
  }
}

module attributes {stable_mosaic.version = 14 : i64} {
  func.func @_tc_body(%arg0: i32, %arg1: i32, %arg2: memref<32x4096xf32, #tpu.memory_space<vmem>>, %arg3: memref<1x1x1x128xi32, #tpu.memory_space<vmem>>, %arg4: memref<1x2x32xf32, #tpu.memory_space<vmem>>) attributes {dimension_semantics = [#tpu.dimension_semantics<arbitrary>, #tpu.dimension_semantics<arbitrary>], iteration_bounds = array<i64: 2, 8>, scalar_prefetch = 0 : i64, scratch_operands = 0 : i64, tpu.core_type = #tpu.core_type<tc>, window_params = [{transform_indices = @transform_0, window_bounds = array<i64: 32, 4096>}, {transform_indices = @transform_1, window_bounds = array<i64: 1, 1, 1, 128>}, {transform_indices = @transform_2, window_bounds = array<i64: 1, 2, 32>}]} {
    %get3A = arith.constant 0 : index
    %get3A_0 = arith.constant 0 : index
    %get3A_1 = vector.load %arg2[%get3A, %get3A_0] : memref<32x4096xf32, #tpu.memory_space<vmem>>, vector<32x4096xf32>
    %get3A_2 = arith.constant 0 : index
    %get3A_3 = arith.constant 0 : index
    %get3A_4 = arith.constant 0 : index
    %get3A_5 = arith.constant 0 : index
    %get3A_6 = vector.load %arg3[%get3A_2, %get3A_3, %get3A_4, %get3A_5] : memref<1x1x1x128xi32, #tpu.memory_space<vmem>>, vector<1x1x1x32xi32>
    %get3A_7 = vector.shape_cast %get3A_6 : vector<1x1x1x32xi32> to vector<32xi32>
    %broadcast_in_dim3A = vector.shape_cast %get3A_7 : vector<32xi32> to vector<32x1xi32>
    %reduce_max3A = arith.constant dense<0xFF800000> : vector<32xf32>
    %reduce_max3A_8 = vector.multi_reduction <maximumf>, %get3A_1, %reduce_max3A [1] : vector<32x4096xf32> to vector<32xf32>
    %broadcast_in_dim3A_9 = vector.shape_cast %reduce_max3A_8 : vector<32xf32> to vector<32x1xf32>
    %sub3A = vector.broadcast %broadcast_in_dim3A_9 : vector<32x1xf32> to vector<32x4096xf32>
    %sub3A_10 = arith.subf %get3A_1, %sub3A : vector<32x4096xf32>
    %exp3A = math.exp %sub3A_10 : vector<32x4096xf32>
    %reduce_sum3A = arith.constant dense<0.000000e+00> : vector<32xf32>
    %reduce_sum3A_11 = vector.multi_reduction <add>, %exp3A, %reduce_sum3A [1] : vector<32x4096xf32> to vector<32xf32>
    %mul3A = arith.mulf %sub3A_10, %exp3A : vector<32x4096xf32>
    %reduce_sum3A_12 = arith.constant dense<0.000000e+00> : vector<32xf32>
    %reduce_sum3A_13 = vector.multi_reduction <add>, %mul3A, %reduce_sum3A_12 [1] : vector<32x4096xf32> to vector<32xf32>
    %iota3A = tpu.iota {dimensions = array<i32: 1>} : vector<32x4096xi32>
    %eq3A = vector.broadcast %broadcast_in_dim3A : vector<32x1xi32> to vector<32x4096xi32>
    %eq3A_14 = arith.cmpi eq, %iota3A, %eq3A : vector<32x4096xi32>
    %jit3A = arith.constant 0.000000e+00 : f32
    %broadcast_in_dim3A_15 = vector.broadcast %jit3A : f32 to vector<32x4096xf32>
    %select_n3A = arith.select %eq3A_14, %get3A_1, %broadcast_in_dim3A_15 : vector<32x4096xi1>, vector<32x4096xf32>
    %reduce_sum3A_16 = arith.constant dense<0.000000e+00> : vector<32xf32>
    %reduce_sum3A_17 = vector.multi_reduction <add>, %select_n3A, %reduce_sum3A_16 [1] : vector<32x4096xf32> to vector<32xf32>
    %log3A = math.log %reduce_sum3A_11 : vector<32xf32>
    %squeeze3A = vector.shape_cast %broadcast_in_dim3A_9 : vector<32x1xf32> to vector<32xf32>
    %sub3A_18 = arith.subf %reduce_sum3A_17, %squeeze3A : vector<32xf32>
    %sub3A_19 = arith.subf %sub3A_18, %log3A : vector<32xf32>
    %div3A = arith.divf %reduce_sum3A_13, %reduce_sum3A_11 : vector<32xf32>
    %sub3A_20 = arith.subf %log3A, %div3A : vector<32xf32>
    %eq3A_21 = arith.constant 0 : i32
    %eq3A_22 = arith.cmpi eq, %arg1, %eq3A_21 : i32
    %convert_element_type3A = arith.extui %eq3A_22 : i1 to i32
    %cond3A = arith.constant 0 : i32
    %cond3A_23 = arith.cmpi ne, %convert_element_type3A, %cond3A : i32
    scf.if %cond3A_23 {
      %broadcast_in_dim3A_46 = arith.constant 0.000000e+00 : f32
      %broadcast_in_dim3A_47 = vector.broadcast %broadcast_in_dim3A_46 : f32 to vector<1x2x32xf32>
      %swap3A_48 = arith.constant 0 : index
      %swap3A_49 = arith.constant 0 : index
      %swap3A_50 = arith.constant 0 : index
      %swap3A_51 = vector.load %arg4[%swap3A_48, %swap3A_49, %swap3A_50] : memref<1x2x32xf32, #tpu.memory_space<vmem>>, vector<1x2x32xf32>
      tpu.vector_store %arg4[%swap3A_48, %swap3A_49, %swap3A_50], %broadcast_in_dim3A_47 {strides = array<i32>} : memref<1x2x32xf32, #tpu.memory_space<vmem>>, vector<1x2x32xf32>,
    } else {
    }
    %get3A_24 = arith.constant 0 : index
    %get3A_25 = arith.constant 0 : index
    %get3A_26 = arith.constant 0 : index
    %get3A_27 = vector.load %arg4[%get3A_24, %get3A_25, %get3A_26] : memref<1x2x32xf32, #tpu.memory_space<vmem>>, vector<1x1x32xf32>
    %get3A_28 = vector.shape_cast %get3A_27 : vector<1x1x32xf32> to vector<32xf32>
    %add3A = arith.addf %get3A_28, %sub3A_19 : vector<32xf32>
    %swap3A = arith.constant 0 : index
    %swap3A_29 = arith.constant 0 : index
    %swap3A_30 = arith.constant 0 : index
    %swap3A_31 = vector.load %arg4[%swap3A, %swap3A_29, %swap3A_30] : memref<1x2x32xf32, #tpu.memory_space<vmem>>, vector<1x1x32xf32>
    %swap3A_32 = vector.shape_cast %swap3A_31 : vector<1x1x32xf32> to vector<32xf32>
    %swap3A_33 = vector.shape_cast %add3A : vector<32xf32> to vector<1x1x32xf32>
    tpu.vector_store %arg4[%swap3A, %swap3A_29, %swap3A_30], %swap3A_33 {strides = array<i32>} : memref<1x2x32xf32, #tpu.memory_space<vmem>>, vector<1x1x32xf32>,
    %get3A_34 = arith.constant 0 : index
    %get3A_35 = arith.constant 1 : index
    %get3A_36 = arith.constant 0 : index
    %get3A_37 = vector.load %arg4[%get3A_34, %get3A_35, %get3A_36] : memref<1x2x32xf32, #tpu.memory_space<vmem>>, vector<1x1x32xf32>
    %get3A_38 = vector.shape_cast %get3A_37 : vector<1x1x32xf32> to vector<32xf32>
    %add3A_39 = arith.addf %get3A_38, %sub3A_20 : vector<32xf32>
    %swap3A_40 = arith.constant 0 : index
    %swap3A_41 = arith.constant 1 : index
    %swap3A_42 = arith.constant 0 : index
    %swap3A_43 = vector.load %arg4[%swap3A_40, %swap3A_41, %swap3A_42] : memref<1x2x32xf32, #tpu.memory_space<vmem>>, vector<1x1x32xf32>
    %swap3A_44 = vector.shape_cast %swap3A_43 : vector<1x1x32xf32> to vector<32xf32>
    %swap3A_45 = vector.shape_cast %add3A_39 : vector<32xf32> to vector<1x1x32xf32>
    tpu.vector_store %arg4[%swap3A_40, %swap3A_41, %swap3A_42], %swap3A_45 {strides = array<i32>} : memref<1x2x32xf32, #tpu.memory_space<vmem>>, vector<1x1x32xf32>,
    return
  }
  func.func @transform_0(%arg0: i32, %arg1: i32) -> (i32, i32) {
    %add3A = arith.constant 2 : i32
    %add3A_0 = arith.addi %add3A, %arg0 : i32
    %c0_i32 = arith.constant 0 : i32
    return %add3A_0, %arg1 : i32, i32
  }
  func.func @transform_1(%arg0: i32, %arg1: i32) -> (i32, i32, i32, i32) {
    %c0_i32 = arith.constant 0 : i32
    %c0_i32_0 = arith.constant 0 : i32
    %c0_i32_1 = arith.constant 0 : i32
    return %arg1, %arg0, %c0_i32, %c0_i32_0 : i32, i32, i32, i32
  }
  func.func @transform_2(%arg0: i32, %arg1: i32) -> (i32, i32, i32) {
    %c0_i32 = arith.constant 0 : i32
    %c0_i32_0 = arith.constant 0 : i32
    %c0_i32_1 = arith.constant 0 : i32
    return %arg0, %c0_i32, %c0_i32_0 : i32, i32, i32
  }
}

</mosaic_0001>

<sc_bundles>
// kernel: kernel.4.cloned.1.call-start
scs
__scs_entry_jumppad:
0x0: {  	(pc) =	sbr.rel $0x88, $3  }
0x1: {  	(tag) =	ssettag $0x0;
	lr =	simm.s32 $0x1  }
0x2: {  	[smem:$0x3F9F] =	sst lr;
	_ =	strace $0xD0000000  }
0x3: {  	_ = 	snop  }
0x4: {  	_ = 	snop  }
0x5: {  	_ = 	snop  }
0x6: {  	_ = 	snop  }
0x7: {  	_ = 	snop  }
__scs_overlays_trampoline_lowered:
0x8: {  	[smem:$0x3FAE] =	sst s0  }
0x9: {  	[smem:$0x3FAF] =	sst s1  }
0xa: {  	[smem:$0x3FB0] =	sst s2  }
0xb: {  	[smem:$0x3FB1] =	sst s3  }
0xc: {  	[smem:$0x3FB2] =	sst s4  }
0xd: {  	[smem:$0x3FB3] =	sst s5  }
0xe: {  	[smem:$0x3FB4] =	sst s6  }
0xf: {  	[smem:$0x3FB5] =	sst s7  }
0x10: {  	[smem:$0x3FB6] =	sst s8  }
0x11: {  	[smem:$0x3FB7] =	sst s9;
	s0 =	simm.s32 @!p0 $0x0  }
0x12: {  	s1 =	sld [smem:$0x3F9D];
	s0 =	simm.s32 @p0 $0x1  }
0x13: {  	[smem:$0x3FB8] =	sst s0;
	s0 =	simm.s32 @!p1 $0x0  }
0x14: {  	s2 =	sld [smem:$0x3F9C];
	s0 =	simm.s32 @p1 $0x1  }
0x15: {  	[smem:$0x3FB9] =	sst s0;
	s0 =	simm.s32 @!p2 $0x0  }
0x16: {  	s3 =	sld [smem:$0x3FDB];
	s0 =	simm.s32 @p2 $0x1  }
0x17: {  	s4 =	simm.s32 $0x1BF5;
	[smem:$0x3FBB] =	sst s0  }
0x18: {  	s0 =	sld [smem:$0x3F9E];
	_ =	swait.ge [sflag:s4], $0x0  }
0x19: {  	s7 =	sld [smem:$0x3F9F]  }
0x1a: {  	s8 =	sadd.s32 $0xFFFFE003, lr  }
0x1b: {  	s9 =	sadd.s32 $0xFFFFFEF7, lr;
	s5 =	simm.s32 $0xFFFFFFFF;
	p2 =	slt.u32 s8, $0xFFFFF086  }
0x1c: {  	p1 =	slt.u32 s9, $0xF7A;
	s5 =	simm.s32 @!p2 $0x0  }
0x1d: {  	s5 =	simm.s32 @p1 $0x1;
	p0 =	seq.s32 s7, s2  }
0x1e: {  	s7 =	smul.u32 @!p0 $0xF7A, s2;
	p2 =	seq.s32 @!p0 s5, $0x0  }
0x1f: {  	s9 =	smul.u32 $0xF7A, s1;
	s8 =	simm.s32 @!p0 $0x1BF5;
	p2 =	por !p2, p0  }
0x20: {  	[sflag:s8] =	ssyncset.s32 @!p0 $0xFFFFF086;
	s6 =	sadd.s32 @!p0 s3, s7;
	s7 =	simm.s32 @!p0 $0x108  }
0x21: {  	s3 =	sadd.s32 s3, s9;
	s6 =	sadd.s32 @!p0 $0x88, s6;
	s7 =	simm.s32 @p2 $0x1082  }
0x22: {  	[simem:s7], [sflag:s8] =	dma.local @!p0 [hbm:s6], $0xF7A  }
0x23: {  	s9 =	sor.u32 $0xD0000000, s2;
	s6 =	simm.s32 $0x108;
	_ =	swait.ge @!p0 [sflag:s8], $0x0  }
0x24: {  	s3 =	sadd.s32 $0x88, s3;
	s6 =	simm.s32 @!p1 $0x1082;
	[sflag:s4] =	ssyncset.s32 $0xFFFFF086  }
0x25: {  	[simem:s6], [sflag:s4] =	dma.local [hbm:s3], $0xF7A  }
0x26: {  	[smem:$0x3F9F] =	sst s1;
	(tag) =	ssettag s2;
	_ =	strace s9  }
0x27: {  	s1 =	sld [smem:$0x3FAF]  }
0x28: {  	s2 =	sld [smem:$0x3FB0]  }
0x29: {  	s4 =	sld [smem:$0x3FB2]  }
0x2a: {  	p0 =	seq.s32 s5, $0x0;
	s5 =	sld [smem:$0x3FB3]  }
0x2b: {  	s6 =	sld [smem:$0x3FB4]  }
0x2c: {  	s7 =	sld [smem:$0x3FB5]  }
0x2d: {  	s3 =	simm.s32 $0x108;
	s8 =	sld [smem:$0x3FB6]  }
0x2e: {  	s3 =	simm.s32 @!p0 $0x1082;
	s9 =	sld [smem:$0x3FB7]  }
0x2f: {  	lr =	sadd.s32 s0, s3;
	s0 =	sld [smem:$0x3FAE]  }
0x30: {  	s3 =	sld [smem:$0x3FB1]  }
0x31: {  	[smem:$0x3FBA] =	sst s10  }
0x32: {  	s10 =	sld [smem:$0x3FB8];
	_ =	sdelay $0x3  }
0x33: {  	p0 =	seq.s32 s10, $0x1;
	s10 =	sld [smem:$0x3FBA];
	_ =	sdelay $0x3  }
0x34: {  	[smem:$0x3FBA] =	sst s10  }
0x35: {  	s10 =	sld [smem:$0x3FB9];
	_ =	sdelay $0x3  }
0x36: {  	p1 =	seq.s32 s10, $0x1;
	s10 =	sld [smem:$0x3FBA];
	_ =	sdelay $0x3  }
0x37: {  	[smem:$0x3FBA] =	sst s10  }
0x38: {  	s10 =	sld [smem:$0x3FBB]  }
0x39: {  	_ = 	snop;
	(pc) =	sbr.ind lr, $3  }
0x3a: {  	_ = 	snop  }
0x3b: {  	_ = 	snop  }
0x3c: {  	p2 =	seq.s32 s10, $0x1;
	s10 =	sld [smem:$0x3FBA]  }
0x3d: {  	_ =	shalt  }
0x3e: {  	_ =	shalt  }
0x3f: {  	_ =	shalt  }
0x40: {  	_ =	shalt  }
0x41: {  	_ =	shalt  }
0x42: {  	_ =	shalt  }
0x43: {  	_ =	shalt  }
0x44: {  	_ =	shalt  }
0x45: {  	_ =	shalt  }
0x46: {  	_ =	shalt  }
0x47: {  	_ =	shalt  }
0x48: {  	_ =	shalt  }
0x49: {  	_ =	shalt  }
0x4a: {  	_ =	shalt  }
0x4b: {  	_ =	shalt  }
0x4c: {  	_ =	shalt  }
0x4d: {  	_ =	shalt  }
0x4e: {  	_ =	shalt  }
0x4f: {  	_ =	shalt  }
0x50: {  	_ =	shalt  }
0x51: {  	_ =	shalt  }
0x52: {  	_ =	shalt  }
0x53: {  	_ =	shalt  }
0x54: {  	_ =	shalt  }
0x55: {  	_ =	shalt  }
0x56: {  	_ =	shalt  }
0x57: {  	_ =	shalt  }
0x58: {  	_ =	shalt  }
0x59: {  	_ =	shalt  }
0x5a: {  	_ =	shalt  }
0x5b: {  	_ =	shalt  }
0x5c: {  	_ =	shalt  }
0x5d: {  	_ =	shalt  }
0x5e: {  	_ =	shalt  }
0x5f: {  	_ =	shalt  }
0x60: {  	_ =	shalt  }
0x61: {  	_ =	shalt  }
0x62: {  	_ =	shalt  }
0x63: {  	_ =	shalt  }
0x64: {  	_ =	shalt  }
0x65: {  	_ =	shalt  }
0x66: {  	_ =	shalt  }
0x67: {  	_ =	shalt  }
0x68: {  	_ =	shalt  }
0x69: {  	_ =	shalt  }
0x6a: {  	_ =	shalt  }
0x6b: {  	_ =	shalt  }
0x6c: {  	_ =	shalt  }
0x6d: {  	_ =	shalt  }
0x6e: {  	_ =	shalt  }
0x6f: {  	_ =	shalt  }
0x70: {  	_ =	shalt  }
0x71: {  	_ =	shalt  }
0x72: {  	_ =	shalt  }
0x73: {  	_ =	shalt  }
0x74: {  	_ =	shalt  }
0x75: {  	_ =	shalt  }
0x76: {  	_ =	shalt  }
0x77: {  	_ =	shalt  }
0x78: {  	_ =	shalt  }
0x79: {  	_ =	shalt  }
0x7a: {  	_ =	shalt  }
0x7b: {  	_ =	shalt  }
0x7c: {  	_ =	shalt  }
0x7d: {  	_ =	shalt  }
0x7e: {  	_ =	shalt  }
0x7f: {  	_ =	shalt  }
0x80: {  	_ =	shalt  }
0x81: {  	_ =	shalt  }
0x82: {  	_ =	shalt  }
0x83: {  	_ =	shalt  }
0x84: {  	_ =	shalt  }
0x85: {  	_ =	shalt  }
0x86: {  	_ =	shalt  }
0x87: {  	_ =	shalt  }
.Lfunc_end0:
.L_simem_size_0:
called_computation_lowered:
.L_overlay_start_0:
0x88: {  	s2 =	sld [smem:$0x3FD9]  }
0x89: {  	s3 =	sld [smem:$0x3FFE];
	_ =	sdelay $0x1  }
0x8a: {  	s1 =	srdreg.scid  }
0x8b: {  	s0 =	sand.u32 $0x1, s1  }
0x8c: {  	s17 =	sshll.u32 s0, $0xA;
	s2 =	sadd.s32 s3, s2  }
0x8d: {  	s2 =	sadd.s32 s2, s17  }
0x8e: {  	[smem:$0x3FC6] =	sst s2  }
0x8f: {  	_ = 	snop  }
0x90: {  	s2 =	sld [smem:$0x3FC9];
	(tm) =	ssettm $0x1  }
0x91: {  	s18 =	sld [smem:$0x3FFB];
	_ =	sdelay $0x3  }
0x92: {  	_ =	strace s18  }
0x93: {  	s3 =	sld [smem:$0x3FFC];
	_ =	sdelay $0x3  }
0x94: {  	_ =	strace s3  }
0x95: {  	s3 =	sld [smem:$0x3FFD];
	_ =	sdelay $0x3  }
0x96: {  	_ =	strace s3  }
0x97: {  	_ =	strace $0x8FFFFFFF  }
0x98: {  	s19 =	sld [smem:$0x3FDB];
	_ =	sdelay $0x1  }
0x99: {  	s4 =	simm.s32 $_scs_section_size  }
0x9a: {  	s5 =	simm.s32 $_size__tile_overlayer_lowered;
	s6 =	simm.s32 $_tile_overlayer_lowered  }
0x9b: {  	s22 =	simm.s32 $0x1BFF;
	s21 =	sshll.u32 s6, $0x1;
	s3 =	sadd.s32 s4, s19  }
0x9c: {  	s7 =	simm.s32 $0x0;
	s20 =	sshll.u32 s5, $0x1;
	s5 =	sadd.s32 s21, s3  }
0x9d: {  	[timem:s7], [sflag:s22] =	dma.local [hbm:s5], s20  }
0x9e: {  	_ =	swait.ge [sflag:s22], s20  }
0x9f: {  	s4 =	ssub.s32 $0x0, s20;
	[sflag:s22] =	ssyncset.done $0x0  }
0xa0: {  	[sflag:s22] =	ssyncadd.s32 s4;
	_ =	sdelay $0x1  }
0xa1: {  	s23 =	simm.s32 $0x1B8B  }
0xa2: {  	_ =	swait.ge [sflag:s23], $0x1  }
0xa3: {  	[sflag:s23] =	ssyncset.done $0x0  }
0xa4: {  	s25 =	simm.s32 $0x1B8E;
	s24 =	sld [smem:$0x3FFE];
	[sflag:s23] =	ssyncadd.s32 $0xFFFFFFFF  }
0xa5: {  	s26 =	simm.s32 $execute0_lowered;
	[smem:$0x3FD2] =	sst s25  }
0xa6: {  	s5 =	sshll.u32 s26, $0x1;
	_ =	strace $0x80000046;
	[dreg:$0x1] =	wrdreg $0xFFFFFFFF  }
0xa7: {  	s28 =	simm.s32 $_size_execute0_lowered;
	s3 =	sadd.s32 s3, s5;
	[dreg:$0x0] =	wrdreg $0x0  }
0xa8: {  	s5 =	sshll.u32 s28, $0x1;
	[dreg:$0x2] =	wrdreg s3  }
0xa9: {  	[dreg:$0x3] =	wrdreg s5  }
0xaa: {  	[dreg:$0x4] =	wrdreg $0xC0  }
0xab: {  	_ =	task [dreg:s7], $0x5FFFF  }
0xac: {  	[dreg:$0x1] =	wrdreg $0xFFFFFFFF  }
0xad: {  	[dreg:$0x0] =	wrdreg $0x60  }
0xae: {  	[dreg:$0x2] =	wrdreg s2  }
0xaf: {  	[dreg:$0x3] =	wrdreg s24  }
0xb0: {  	[dreg:$0x4] =	wrdreg $0x9  }
0xb1: {  	_ =	task.clear_ibuf [dreg:s7], $0x5FFFF;
	_ =	strace $0x90000046  }
0xb2: {  	s29 =	simm.s32 $0x9;
	_ =	strace $0x80000048  }
0xb3: {  	_ =	swait.ge [sflag:s29], $0x1  }
0xb4: {  	[sflag:s29] =	ssyncadd.s32 $0xFFFFFFFF  }
0xb5: {  	_ =	strace $0x90000048  }
0xb6: {  	_ =	sfence  }
0xb7: {  	s30 =	sld [smem:$0x0];
	_ =	sdelay $0x2  }
0xb8: {  	s31 =	sshll.u32 s1, $0xD;
	s1 =	sshrl.u32 s1, $0x2  }
0xb9: {  	s3 =	sand.u32 $0x4000, s31;
	s1 =	sadd.s32 s1, s30  }
0xba: {  	s0 =	sor.u32 s3, s0;
	s1 =	sshll.u32 s1, $0x11  }
0xbb: {  	s0 =	sor.u32 s1, s0  }
0xbc: {  	s0 =	sadd.s32 $0x8F2B, s0  }
0xbd: {  	[sflag:s0] =	ssyncadd.remote.s32 $0x1  }
0xbe: {  	_ =	sfence.sel $0xFFFF  }
0xbf: {  	[dreg:$0x0] =	wrdreg $0xFFFFFFFF;
	(pc) =	sbr.abs _section_cstart, $3  }
0xc0: {  	[dreg:$0x1] =	wrdreg $0xFFFFFFFF  }
0xc1: {  	_ =	task.clear_ibuf [dreg:s7], $0x2FFFF;
	_ =	strace $0x9FFFFFFF  }
0xc2: {  	(tm) =	ssettm $0x7FFFFFFF  }
0xc3: {  	_ =	shalt  }
tec
execute0_lowered:
.L_overlay_start_1:
0x0: {  	(tag) =	ssettag $0x1  }
0x1: {  	s3 =	rddreg [dreg:$0x0]  }
0x2: {  	v0 =	vimm.s32 $0xFEDCBA98;
	s4 =	rddreg [dreg:$0x1]  }
0x3: {  	s0 =	simm.s32 $0x0;
	v1 =	vimm.s32 $0x76543210;
	s5 =	srdreg.scid;
	s1 =	stileid.u32;
	v3 =	vimm.s32 $0x32107654;
	v4 =	vimm.s32 $0xDCFE98BA  }
0x4: {  	s2 =	rddreg [dreg:$0x2];
	v5 =	vimm.s32 $0x54761032;
	v6 =	vimm.s32 $0xEFCDAB89;
	s11 =	simm.s32 $0x80;
	s12 =	simm.s32 $0x400  }
0x5: {  	v7 =	vimm.s32 $0x67452301;
	s13 =	simm.s32 $0x8000;
	s14 =	simm.s32 $0x1;
	s15 =	simm.s32 $0x2;
	v0 =	vunpack.c.l.s4.s8 v0;
	v1 =	vunpack.c.l.s4.s8 v1  }
0x6: {  	s16 =	simm.s32 $0x10080;
	s17 =	simm.s32 $0x10100;
	s18 =	simm.s32 $0x0;
	v4 =	vunpack.c.l.s4.s8 v4;
	v5 =	vunpack.c.l.s4.s8 v5;
	v6 =	vunpack.c.l.s4.s8 v6  }
0x7: {  	[smem:$0x7FF] =	sst s0;
	s5 =	sand.u32 $0x1, s5;
	s6 =	sshll.u32 s1, $0x1;
	v7 =	vunpack.c.l.s4.s8 v7;
	v2 =	vunpack.c.0.s8.s32 v0;
	v0 =	vimm.s32 $0xBA98FEDC  }
0x8: {  	s7 =	sshll.u32 s1, $0xE;
	v3 =	vunpack.c.l.s4.s8 v3;
	_ =	strace $0x80000047;
	s6 =	sor.u32 s5, s6;
	v4 =	vunpack.c.0.s8.s32 v4;
	v0 =	vunpack.c.l.s4.s8 v0  }
0x9: {  	s5 =	ssub.s32 $0x2, s5;
	s8 =	sshll.u32 s6, $0x1;
	s9 =	sshll.u32 s6, $0x5;
	v5 =	vunpack.c.0.s8.s32 v5;
	v6 =	vunpack.c.0.s8.s32 v6;
	v7 =	vunpack.c.0.s8.s32 v7  }
0xa: {  	s6 =	sshll.u32 s6, $0x4;
	s31 =	sshrl.u32 s5, $0x1;
	v3 =	vunpack.c.0.s8.s32 v3;
	v8 =	vunpack.c.0.s8.s32 v1;
	s8 =	sadd.s32 s8, s4;
	v0 =	vunpack.c.0.s8.s32 v0  }
0xb: {  	s7 =	sor.u32 s7, s9;
	s10 =	sadd.s32 s6, s4;
	s9 =	ssub.s32 s5, s31;
	v9 =	vand.u32 $0xF, v2;
	v1 =	vcombine.low v5, v4;
	v2 =	vcombine.low v7, v6  }
0xc: {  	vm0 =	vcmask $0x1B20;
	s7 =	sand.u32 $0x38060, s7;
	s4 =	sadd.s32 $0x800, s8;
	s6 =	sadd.s32 $0xA00, s10;
	v4 =	vcombine.low v9, v8;
	v0 =	vcombine.low v3, v0  }
0xd: {  	s8 =	smax.u32 s9, $0x1;
	s9 =	simm.s32 $0x10000;
	s3 =	sadd.s32 s3, s7;
	v8 =	vlaneseq.u32;
	v9 =	vimm.s32 $0x8;
	v6 =	vand.u32 $0xF, v1  }
0xe: {  	s7 =	sadd.s32 $0xC00, s10;
	s10 =	simm.s32 $0x3;
	s5 =	sadd.s32 $0x10, s3;
	v7 =	vand.u32 $0xF, v2;
	v3 =	vimm.s32 $0x0;
	v5 =	vand.u32 $0xF, v0  }
.LBB2_1:
0xf: {  	[tilespmem:s9], [sflag:$0x3] =	stream.linear.gather [hbm4b:s4+s0], $0x10, $0x38;
	[tilespmem:$0x10180] =	vst v63  }
0x10: {  	_ =	swait.ge [sflag:s10], $0x10  }
0x11: {  	[sflag:s10] =	ssyncset.done $0x0  }
0x12: {  	[sflag:s10] =	ssyncadd.s32 $0xFFFFFFF0  }
0x13: {  	[tilespmem:s0], [sflag:$0x1] =	stream.strided.gather [hbm4b:s3+s11], $0x8000, s12, s11, $0x38;
	[tilespmem:$0x10180] =	vst v63  }
0x14: {  	_ = 	snop  }
0x15: {  	[tilespmem:s13], [sflag:$0x2] =	stream.strided.gather [hbm4b:s5+s11], $0x8000, s12, s11, $0x38;
	[tilespmem:$0x10180] =	vst v63  }
0x16: {  	v10 =	vld [tilespmem:$0x10000];
	_ =	swait.ge [sflag:s14], $0x8000  }
0x17: {  	[sflag:s14] =	ssyncset.done $0x0  }
0x18: {  	s20 =	simm.s32 $0x0;
	[sflag:s14] =	ssyncadd.s32 $0xFFFF8000  }
0x19: {  	v15 =	vld [tilespmem:s20+$0x0]  }
0x1a: {  	v16 =	vld [tilespmem:s20+$0x10]  }
0x1b: {  	v17 =	vimm.f32 $-Inf;
	v18 =	vimm.f32 $0.0e+00;
	v12 =	vld [tilespmem:s20+$0x20];
	v11 =	vperm.xlane v10, v3  }
0x1c: {  	v22 =	vadd.s32 $0x10, v8;
	v14 =	vlaneseq.u32;
	v19 =	vimm.f32 $-Inf;
	v13 =	vld [tilespmem:s20+$0x30]  }
0x1d: {  	s19 =	simm.s32 $0x100;
	v20 =	vimm.f32 $-Inf;
	v21 =	vimm.f32 $-Inf;
	vm1 =	veq.s32 v8, v11  }
.LBB2_2:
0x1e: {  	s20 =	sshra.s32 s19, $0x2;
	p0 =	sne.s32 s19, $0x3F00;
	s19 =	sadd.s32 $0x100, s19;
	v18 =	vsel vm1, v15, v18;
	vm1 =	veq.s32 v22, v11;
	v22 =	vadd.s32 $0x20, v14;
	v23 =	vmovc v15  }
.Ltmp0:
0x1f: {  	v15 =	vld [tilespmem:s20+$0x0];
	v18 =	vsel vm1, v16, v18;
	vm1 =	veq.s32 v22, v11;
	v22 =	vadd.s32 $0x30, v14;
	v24 =	vmovc v16;
	(pc) =	sbr.rel @p0 .LBB2_2-.Ltmp0, $4  }
0x20: {  	v17 =	vmax.f32 v17, v23;
	v16 =	vld [tilespmem:s20+$0x10];
	v18 =	vsel vm1, v12, v18;
	vm1 =	veq.s32 v22, v11  }
0x21: {  	v19 =	vmax.f32 v19, v24;
	v20 =	vmax.f32 v20, v12;
	v12 =	vld [tilespmem:s20+$0x20];
	v18 =	vsel vm1, v13, v18  }
0x22: {  	v14 =	vadd.s32 $0x40, v14;
	v21 =	vmax.f32 v21, v13;
	v13 =	vld [tilespmem:s20+$0x30]  }
0x23: {  	v22 =	vadd.s32 $0x10, v14;
	vm1 =	veq.s32 v14, v11  }
0x24: {  	_ =	sdelay $0x1  }
0x25: {  	v17 =	vmax.f32 v17, v15  }
0x26: {  	v19 =	vmax.f32 v19, v16;
	v20 =	vmax.f32 v20, v12;
	v21 =	vmax.f32 v21, v13  }
0x27: {  	v17 =	vmax.f32 v17, v19;
	v19 =	vmax.f32 v20, v21  }
0x28: {  	v17 =	vmax.f32 v17, v19  }
0x29: {  	v19 =	vperm.xlane v17, v4;
	_ =	sdelay $0x1  }
0x2a: {  	v17 =	vmax.f32 v17, v19  }
0x2b: {  	v19 =	vperm.xlane v17, v0;
	_ =	sdelay $0x1  }
0x2c: {  	v15 =	vsel vm1, v15, v18;
	v17 =	vmax.f32 v17, v19  }
0x2d: {  	vm1 =	veq.s32 v22, v11;
	v18 =	vadd.s32 $0x20, v14;
	v19 =	vperm.xlane v17, v1  }
0x2e: {  	v14 =	vadd.s32 $0x30, v14;
	v15 =	vsel vm1, v16, v15;
	vm1 =	veq.s32 v18, v11  }
0x2f: {  	v12 =	vsel vm1, v12, v15;
	vm1 =	veq.s32 v14, v11;
	v16 =	vmax.f32 v17, v19  }
0x30: {  	v14 =	vimm.f32 $0.0e+00;
	v12 =	vsel vm1, v13, v12;
	v17 =	vperm.xlane v16, v2  }
0x31: {  	v15 =	vimm.f32 $0.0e+00;
	v12 =	vperm.xlane v12, v11;
	v11 =	vimm.f32 $0.0e+00  }
0x32: {  	s19 =	simm.s32 $0x1;
	s20 =	simm.s32 $0x20;
	s21 =	simm.s32 $0x1000;
	v13 =	vmax.f32 v16, v17;
	v17 =	vimm.f32 $0.0e+00;
	v16 =	vimm.f32 $0.0e+00  }
.LBB2_4:
0x33: {  	v18 =	vld [tilespmem:s20+$0x10];
	_ =	sdelay $0x4  }
0x34: {  	v19 =	vsub.f32 v18, v13  }
0x35: {  	v18 =	vld [tilespmem:s20+$0xFFFFFFF0]  }
0x36: {  	v20 =	vmul.f32 $1.442695020e+00, v19  }
0x37: {  	v21 =	vld [tilespmem:s20+$0x0];
	s22 =	sadd.s32 $0x40, s20  }
0x38: {  	v23 =	vld [tilespmem:s22+$0xFFFFFFF0];
	(erf) = vpow2.f32 v20  }
0x39: {  	v20 =	vld [tilespmem:s22+$0x10]  }
0x3a: {  	v24 =	vld [tilespmem:s22+$0x0];
	v22 =	vsub.f32 v18, v13  }
0x3b: {  	s23 =	simm.s32 $0x0;
	s24 =	sadd.s32 $0x0, s21  }
0x3c: {  	s24 =	sand.u32 $0x7F80, s24;
	s23 =	sand.u32 $0x40, s23;
	v33 =	vsub.f32 v21, v13;
	v21 =	vmul.f32 $1.442695020e+00, v22  }
0x3d: {  	v30 =	vimm.f32 $-Inf;
	s23 =	sor.u32 s23, s24;
	v23 =	vsub.f32 v23, v13  }
0x3e: {  	v18 =	vmov s19;
	(erf) = vpow2.f32 v21;
	v25 =	vsub.f32 v20, v13;
	v20 =	vld [tilespmem:s23+$0x0]  }
0x3f: {  	v24 =	vsub.f32 v24, v13;
	v27 =	vmul.f32 $1.442695020e+00, v33;
	v18 =	vperm.xlane v10, v18  }
0x40: {  	v26 =	vlaneseq.u32;
	v29 =	vld [tilespmem:s23+$0x10];
	v34 =	vmul.f32 $1.442695020e+00, v23;
	v28 =	vmul.f32 $1.442695020e+00, v25  }
0x41: {  	v31 =	vld [tilespmem:s23+$0x20];
	v38 =	vmul.f32 $1.442695020e+00, v24;
	vm1 =	veq.s32 v26, v18;
	(erf) = vpow2.f32 v27;
	v21 =	vpop (erf)  }
0x42: {  	v36 =	vld [tilespmem:s23+$0xFFFFF000];
	(erf) = vpow2.f32 v28;
	v27 =	vadd.f32 v21, v17;
	v19 =	vmul.f32 v21, v19  }
0x43: {  	v35 =	vld [tilespmem:s23+$0x30];
	v21 =	vadd.s32 $0x10, v26;
	v32 =	vsel vm1, v20, v17;
	(erf) = vpow2.f32 v34  }
0x44: {  	vm1 =	veq.s32 v21, v18;
	v28 =	vadd.f32 v19, v17;
	v19 =	vadd.s32 $0x20, v26  }
0x45: {  	v21 =	vmax.f32 v30, v20;
	v32 =	vsel vm1, v29, v32;
	vm1 =	veq.s32 v19, v18  }
0x46: {  	s22 =	sadd.s32 $0x40, s22;
	v20 =	vmax.f32 v30, v31;
	v19 =	vadd.s32 $0x30, v26;
	v32 =	vsel vm1, v31, v32  }
0x47: {  	v39 =	vld [tilespmem:s22+$0x10];
	vm1 =	veq.s32 v19, v18;
	v19 =	vmax.f32 v30, v29;
	v40 =	vpop (erf);
	v29 =	vsub.f32 v36, v13  }
0x48: {  	v31 =	vmul.f32 v40, v22;
	v22 =	vmax.f32 v30, v35;
	v30 =	vadd.f32 v40, v17;
	v40 =	vld [tilespmem:s22+$0xFFFFFFF0]  }
0x49: {  	s26 =	sadd.s32 $0x40, s21;
	v42 =	vld [tilespmem:s22+$0x0];
	v34 =	vimm.f32 $0.0e+00;
	(erf) = vpow2.f32 v38;
	v36 =	vimm.f32 $0.0e+00  }
0x4a: {  	s25 =	simm.s32 $0x40;
	s26 =	sand.u32 $0x7F80, s26;
	v32 =	vsel vm1, v35, v32;
	v37 =	vpop (erf);
	v35 =	vimm.f32 $0.0e+00;
	v43 =	vmul.f32 $1.442695020e+00, v29  }
0x4b: {  	s25 =	sand.u32 $0x40, s25;
	s24 =	simm.s32 $0xC0;
	s23 =	simm.s32 $0x80;
	v41 =	vmul.f32 v37, v33;
	v33 =	vimm.f32 $0.0e+00;
	v31 =	vadd.f32 v31, v17;
	v38 =	vpop (erf)  }
.LBB2_5:
0x4c: {  	p0 =	sne.s32 s24, $0xFC0;
	v39 =	vsub.f32 v39, v13;
	s26 =	sor.u32 s25, s26;
	v35 =	vadd.f32 v37, v35;
	(erf) = vpow2.f32 v43;
	v44 =	vmovc v24;
	s25 =	smov.u32 s23  }
0x4d: {  	s23 =	smov.u32 s24;
	v43 =	vsub.f32 v40, v13;
	v40 =	vld [tilespmem:s26+$0x0];
	v36 =	vadd.f32 v41, v36  }
0x4e: {  	v27 =	vadd.f32 v38, v27;
	v24 =	vsub.f32 v42, v13;
	v37 =	vmul.f32 $1.442695020e+00, v39;
	v41 =	vld [tilespmem:s26+$0x10]  }
0x4f: {  	v38 =	vmul.f32 v38, v25;
	v25 =	vmov v39;
	v45 =	vmul.f32 $1.442695020e+00, v43;
	v42 =	vld [tilespmem:s26+$0x20]  }
0x50: {  	v26 =	vadd.s32 $0x40, v26;
	v46 =	vmul.f32 $1.442695020e+00, v24;
	(erf) = vpow2.f32 v37;
	v47 =	vld [tilespmem:s26+$0x30]  }
0x51: {  	vm1 =	veq.s32 v26, v18;
	v51 =	vadd.s32 $0x10, v26;
	v28 =	vadd.f32 v38, v28;
	v48 =	vld [tilespmem:s26+$0xFFFFF000]  }
0x52: {  	v39 =	vadd.s32 $0x20, v26;
	v32 =	vsel vm1, v40, v32;
	vm1 =	veq.s32 v51, v18;
	v49 =	vpop (erf)  }
0x53: {  	v50 =	vadd.s32 $0x30, v26;
	v32 =	vsel vm1, v41, v32;
	vm1 =	veq.s32 v39, v18;
	v37 =	vpop (erf)  }
0x54: {  	s22 =	sadd.s32 $0x40, s22;
	v21 =	vmax.f32 v21, v40;
	v32 =	vsel vm1, v42, v32;
	vm1 =	veq.s32 v50, v18  }
.Ltmp1:
0x55: {  	v19 =	vmax.f32 v19, v41;
	v20 =	vmax.f32 v20, v42;
	v39 =	vld [tilespmem:s22+$0x10];
	v32 =	vsel vm1, v47, v32;
	v38 =	vpop (erf);
	(pc) =	sbr.rel @p0 .LBB2_5-.Ltmp1, $4  }
0x56: {  	v40 =	vld [tilespmem:s22+$0xFFFFFFF0];
	v34 =	vadd.f32 v38, v34;
	v50 =	vmul.f32 v38, v29;
	v29 =	vsub.f32 v48, v13  }
0x57: {  	v41 =	vmul.f32 v49, v23;
	v23 =	vmovc v43;
	v22 =	vmax.f32 v22, v47;
	v42 =	vld [tilespmem:s22+$0x0];
	(erf) = vpow2.f32 v45  }
0x58: {  	s26 =	sadd.s32 s25, s21;
	(erf) = vpow2.f32 v46;
	v43 =	vmul.f32 $1.442695020e+00, v29;
	v33 =	vadd.f32 v50, v33  }
0x59: {  	s24 =	sadd.s32 $0x40, s24;
	s25 =	sand.u32 $0x40, s25;
	s26 =	sand.u32 $0x7F80, s26;
	v30 =	vadd.f32 v49, v30;
	v31 =	vadd.f32 v41, v31;
	v41 =	vmul.f32 v37, v44;
	v38 =	vpop (erf)  }
0x5a: {  	s24 =	sor.u32 s25, s26;
	s22 =	sadd.s32 s23, s21  }
0x5b: {  	s30 =	sand.u32 $0x40, s23;
	v44 =	vld [tilespmem:s24+$0xFFFFF000];
	s22 =	sand.u32 $0x7F80, s22  }
0x5c: {  	s22 =	sor.u32 s30, s22  }
0x5d: {  	v39 =	vsub.f32 v39, v13;
	v45 =	vld [tilespmem:s22+$0xFFFFF000]  }
0x5e: {  	v40 =	vsub.f32 v40, v13  }
0x5f: {  	v42 =	vsub.f32 v42, v13;
	v46 =	vmul.f32 $1.442695020e+00, v39  }
0x60: {  	(erf) = vpow2.f32 v43;
	v54 =	vmul.f32 $1.442695020e+00, v40;
	v44 =	vsub.f32 v44, v13  }
0x61: {  	v47 =	vmul.f32 $1.442695020e+00, v42;
	(erf) = vpow2.f32 v46  }
0x62: {  	(erf) = vpow2.f32 v54;
	v55 =	vmul.f32 $1.442695020e+00, v44;
	v45 =	vsub.f32 v45, v13  }
0x63: {  	(erf) = vpow2.f32 v47  }
0x64: {  	(erf) = vpow2.f32 v55;
	v56 =	vmul.f32 $1.442695020e+00, v45;
	_ =	sdelay $0x1  }
0x65: {  	v57 =	vpop (erf);
	(erf) = vpow2.f32 v56  }
0x66: {  	v35 =	vadd.f32 v37, v35;
	v25 =	vmul.f32 v38, v25;
	v46 =	vld [tilespmem:s24+$0x0]  }
0x67: {  	v26 =	vadd.s32 $0x40, v26;
	v27 =	vadd.f32 v38, v27;
	v36 =	vadd.f32 v41, v36;
	v58 =	vpop (erf)  }
0x68: {  	vm1 =	veq.s32 v26, v18;
	v61 =	vadd.s32 $0x10, v26;
	v23 =	vmul.f32 v57, v23;
	v59 =	vpop (erf)  }
0x69: {  	v25 =	vadd.f32 v25, v28;
	v30 =	vadd.f32 v57, v30;
	v24 =	vmul.f32 v58, v24;
	v60 =	vpop (erf)  }
0x6a: {  	v51 =	vadd.f32 v58, v35;
	v23 =	vadd.f32 v23, v31;
	v62 =	vmul.f32 v59, v29;
	v49 =	vpop (erf)  }
0x6b: {  	v63 =	vsel vm1, v46, v32;
	v48 =	vadd.f32 v59, v34;
	v24 =	vadd.f32 v24, v36;
	v50 =	vpop (erf)  }
0x6c: {  	v54 =	vld [tilespmem:s24+$0x10];
	v28 =	vadd.f32 v62, v33;
	v52 =	vmul.f32 v60, v39;
	v27 =	vadd.f32 v60, v27;
	v53 =	vpop (erf)  }
0x6d: {  	v41 =	vld [tilespmem:s22+$0x10];
	v56 =	vmul.f32 v49, v40;
	v30 =	vadd.f32 v49, v30;
	v55 =	vmul.f32 v53, v44  }
0x6e: {  	v43 =	vld [tilespmem:s22+$0x20];
	v25 =	vadd.f32 v52, v25;
	v59 =	vmul.f32 v50, v42;
	v31 =	vadd.f32 v50, v51;
	v57 =	vpop (erf)  }
0x6f: {  	v58 =	vld [tilespmem:s24+$0x20];
	v32 =	vadd.f32 v53, v48;
	v28 =	vadd.f32 v55, v28;
	v60 =	vmul.f32 v57, v45  }
0x70: {  	vm1 =	veq.s32 v61, v18;
	v61 =	vld [tilespmem:s24+$0x30];
	v23 =	vadd.f32 v56, v23;
	v24 =	vadd.f32 v59, v24  }
0x71: {  	v29 =	vsel vm1, v54, v63;
	v63 =	vld [tilespmem:s22+$0x0];
	v32 =	vadd.f32 v57, v32;
	v28 =	vadd.f32 v60, v28  }
0x72: {  	v19 =	vmax.f32 v19, v54;
	v27 =	vadd.f32 v27, v31;
	v24 =	vadd.f32 v25, v24;
	v45 =	vld [tilespmem:s22+$0x30]  }
0x73: {  	v62 =	vadd.s32 $0x20, v26;
	v30 =	vadd.f32 v30, v32;
	v23 =	vadd.f32 v23, v28  }
0x74: {  	v21 =	vmax.f32 v21, v46;
	v19 =	vmax.f32 v19, v41;
	vm1 =	veq.s32 v62, v18  }
0x75: {  	v20 =	vmax.f32 v20, v58;
	v27 =	vadd.f32 v27, v30;
	v23 =	vadd.f32 v24, v23  }
0x76: {  	v22 =	vmax.f32 v22, v61;
	v20 =	vmax.f32 v20, v43;
	v21 =	vmax.f32 v21, v63  }
0x77: {  	v22 =	vmax.f32 v22, v45;
	v47 =	vperm.xlane v27, v4;
	v48 =	vperm.xlane v23, v4  }
0x78: {  	v42 =	vadd.s32 $0x30, v26;
	v19 =	vmax.f32 v21, v19;
	v20 =	vmax.f32 v20, v22  }
0x79: {  	v19 =	vmax.f32 v19, v20;
	v25 =	vadd.f32 v47, v27;
	v23 =	vadd.f32 v48, v23  }
0x7a: {  	v26 =	vadd.s32 $0x40, v26;
	v44 =	vsel vm1, v58, v29;
	v52 =	vperm.xlane v19, v4  }
0x7b: {  	vm1 =	veq.s32 v42, v18;
	v27 =	vperm.xlane v25, v5;
	v49 =	vperm.xlane v23, v5  }
0x7c: {  	v50 =	vadd.s32 $0x10, v26;
	v46 =	vsel vm1, v61, v44;
	vm1 =	veq.s32 v26, v18  }
0x7d: {  	v19 =	vmax.f32 v19, v52;
	v51 =	vadd.f32 v27, v25;
	v53 =	vadd.f32 v49, v23  }
0x7e: {  	v54 =	vadd.s32 $0x20, v26;
	v24 =	vsel vm1, v63, v46;
	v57 =	vperm.xlane v19, v5  }
0x7f: {  	s31 =	sadd.s32 $0xFFFFFFFF, s19;
	vm1 =	veq.s32 v50, v18;
	v55 =	vperm.xlane v51, v6;
	v56 =	vperm.xlane v53, v6  }
0x80: {  	v62 =	vmov s31;
	v24 =	vsel vm1, v41, v24;
	vm1 =	veq.s32 v54, v18  }
0x81: {  	s19 =	sadd.s32 $0x1, s19;
	v19 =	vmax.f32 v19, v57;
	v22 =	vadd.f32 v55, v51;
	v20 =	vadd.f32 v56, v53  }
0x82: {  	p0 =	sne.s32 s19, $0x8;
	v58 =	vadd.s32 $0x30, v26;
	v59 =	vsel vm1, v43, v24;
	v61 =	vperm.xlane v19, v6  }
.Ltmp2:
0x83: {  	vm1 =	veq.s32 v58, v18;
	v60 =	vperm.xlane v22, v7;
	v25 =	vperm.xlane v20, v7;
	(pc) =	sbr.rel @p0 .LBB2_4-.Ltmp2, $4  }
0x84: {  	v23 =	vsel vm1, v45, v59;
	vm1 =	veq.s32 v62, v8;
	v19 =	vmax.f32 v19, v61  }
0x85: {  	v63 =	vperm.xlane v19, v7;
	v21 =	vadd.f32 v60, v22;
	v20 =	vadd.f32 v25, v20  }
0x86: {  	v16 =	vsel vm1, v13, v16;
	v11 =	vsel vm1, v12, v11;
	v12 =	vperm.xlane v23, v18  }
0x87: {  	s20 =	sadd.s32 $0x1000, s20;
	s21 =	sadd.s32 $0x1000, s21;
	v13 =	vmax.f32 v19, v63;
	v15 =	vsel vm1, v21, v15;
	v14 =	vsel vm1, v20, v14  }
0x88: {  	s19 =	simm.s32 $0x7030  }
0x89: {  	s20 =	simm.s32 $0x0;
	v17 =	vld [tilespmem:s19+$0xFFFFFFF0]  }
0x8a: {  	s20 =	sand.u32 $0xFC0, s20;
	v18 =	vld [tilespmem:s19+$0xFFFFFFE0]  }
0x8b: {  	v19 =	vld [tilespmem:s20+$0x7000]  }
0x8c: {  	v20 =	vld [tilespmem:s19+$0x0];
	_ =	sdelay $0x1  }
0x8d: {  	v23 =	vsub.f32 v17, v13  }
0x8e: {  	s26 =	simm.s32 $0x7070;
	v18 =	vsub.f32 v18, v13  }
0x8f: {  	v21 =	vld [tilespmem:s26+$0xFFFFFFF0];
	v27 =	vsub.f32 v19, v13;
	v17 =	vmul.f32 $1.442695020e+00, v23  }
0x90: {  	s28 =	simm.s32 $0x40;
	v22 =	vld [tilespmem:s26+$0x0];
	v20 =	vsub.f32 v20, v13;
	v19 =	vmul.f32 $1.442695020e+00, v18  }
0x91: {  	s20 =	sand.u32 $0xFC0, s28;
	v24 =	vmul.f32 $1.442695020e+00, v27;
	(erf) = vpow2.f32 v17;
	v17 =	vld [tilespmem:s26+$0xFFFFFFE0]  }
0x92: {  	v26 =	vld [tilespmem:s20+$0x7000];
	v25 =	vmul.f32 $1.442695020e+00, v20;
	(erf) = vpow2.f32 v19  }
0x93: {  	s29 =	simm.s32 $0x70B0;
	(erf) = vpow2.f32 v24  }
0x94: {  	v29 =	vld [tilespmem:s29+$0x0];
	v19 =	vsub.f32 v21, v13;
	(erf) = vpow2.f32 v25;
	_ =	sdelay $0x1  }
0x95: {  	v24 =	vmul.f32 $1.442695020e+00, v19;
	v21 =	vsub.f32 v17, v13  }
0x96: {  	v28 =	vld [tilespmem:s29+$0xFFFFFFF0];
	v17 =	vsub.f32 v22, v13;
	v22 =	vsub.f32 v26, v13  }
0x97: {  	s30 =	simm.s32 $0x80;
	v34 =	vimm.f32 $0.0e+00;
	v31 =	vld [tilespmem:s29+$0xFFFFFFE0];
	(erf) = vpow2.f32 v24;
	v26 =	vmul.f32 $1.442695020e+00, v21  }
0x98: {  	v35 =	vimm.f32 $0.0e+00;
	s31 =	sand.u32 $0xFC0, s30;
	v29 =	vsub.f32 v29, v13;
	v24 =	vmul.f32 $1.442695020e+00, v22  }
0x99: {  	v38 =	vld [tilespmem:s31+$0x7000];
	v25 =	vimm.f32 $0.0e+00;
	v32 =	vmul.f32 $1.442695020e+00, v17;
	v30 =	vpop (erf);
	(erf) = vpow2.f32 v26  }
0x9a: {  	v26 =	vmul.f32 v30, v23;
	(erf) = vpow2.f32 v24;
	v24 =	vadd.f32 v30, v25;
	v30 =	vpop (erf)  }
0x9b: {  	v23 =	vsub.f32 v28, v13;
	(erf) = vpow2.f32 v32;
	v37 =	vpop (erf);
	v32 =	vimm.f32 $0.0e+00  }
0x9c: {  	v26 =	vadd.f32 v26, v25;
	v36 =	vmul.f32 v37, v27;
	v33 =	vpop (erf);
	v27 =	vsub.f32 v31, v13  }
0x9d: {  	s19 =	simm.s32 $0xC0;
	s20 =	simm.s32 $0x70F0;
	v39 =	vmul.f32 $1.442695020e+00, v23;
	v31 =	vimm.f32 $0.0e+00;
	v28 =	vadd.f32 v33, v25  }
.LBB2_8:
0x9e: {  	s21 =	sand.u32 $0xFC0, s19;
	v40 =	vld [tilespmem:s20+$0xFFFFFFF0];
	p0 =	sne.s32 s19, $0xFC0;
	s19 =	sadd.s32 $0x40, s19;
	v41 =	vsub.f32 v38, v13;
	v25 =	vadd.f32 v37, v25;
	v37 =	vmul.f32 v30, v18;
	v42 =	vmovc v17  }
0x9f: {  	v32 =	vadd.f32 v36, v32;
	v17 =	vmovc v29;
	v18 =	vmovc v21;
	v43 =	vld [tilespmem:s20+$0x0];
	v44 =	vmul.f32 $1.442695020e+00, v27;
	(erf) = vpow2.f32 v39  }
0xa0: {  	v34 =	vadd.f32 v30, v34;
	v36 =	vmul.f32 $1.442695020e+00, v17;
	v39 =	vld [tilespmem:s20+$0xFFFFFFE0];
	v29 =	vmul.f32 $1.442695020e+00, v41;
	v45 =	vpop (erf)  }
.Ltmp3:
0xa1: {  	v21 =	vmovc v27;
	v35 =	vadd.f32 v37, v35;
	v38 =	vld [tilespmem:s21+$0x7000];
	(erf) = vpow2.f32 v44;
	v44 =	vmul.f32 v45, v19;
	v19 =	vmovc v23;
	(pc) =	sbr.rel @p0 .LBB2_8-.Ltmp3, $4  }
0xa2: {  	v24 =	vadd.f32 v45, v24;
	v45 =	vmul.f32 v33, v20;
	(erf) = vpow2.f32 v29;
	v30 =	vpop (erf)  }
0xa3: {  	v23 =	vsub.f32 v40, v13;
	(erf) = vpow2.f32 v36;
	v26 =	vadd.f32 v44, v26;
	v37 =	vpop (erf)  }
0xa4: {  	v31 =	vadd.f32 v45, v31;
	v29 =	vsub.f32 v43, v13;
	v36 =	vmul.f32 v37, v22;
	v33 =	vpop (erf)  }
0xa5: {  	s20 =	sadd.s32 $0x40, s20;
	v20 =	vmovc v42;
	v22 =	vmovc v41;
	v27 =	vsub.f32 v39, v13;
	v39 =	vmul.f32 $1.442695020e+00, v23;
	v28 =	vadd.f32 v33, v28  }
0xa6: {  	_ = 	snop  }
0xa7: {  	v38 =	vsub.f32 v38, v13;
	(erf) = vpow2.f32 v39  }
0xa8: {  	v40 =	vmul.f32 $1.442695020e+00, v27  }
0xa9: {  	v58 =	vmul.f32 $1.442695020e+00, v38  }
0xaa: {  	v59 =	vmul.f32 $1.442695020e+00, v29;
	(erf) = vpow2.f32 v40  }
0xab: {  	(erf) = vpow2.f32 v58  }
0xac: {  	v60 =	vpop (erf);
	(erf) = vpow2.f32 v59  }
0xad: {  	v18 =	vmul.f32 v30, v18;
	v25 =	vadd.f32 v37, v25;
	v19 =	vmul.f32 v60, v19;
	v61 =	vpop (erf)  }
0xae: {  	v32 =	vadd.f32 v36, v32;
	v30 =	vadd.f32 v30, v34;
	v20 =	vmul.f32 v33, v20;
	v62 =	vpop (erf)  }
0xaf: {  	v18 =	vadd.f32 v18, v35;
	v19 =	vadd.f32 v19, v26;
	v26 =	vpop (erf)  }
0xb0: {  	v20 =	vadd.f32 v20, v31;
	v24 =	vadd.f32 v60, v24;
	v21 =	vmul.f32 v61, v21;
	v31 =	vpop (erf)  }
0xb1: {  	v30 =	vadd.f32 v61, v30;
	v22 =	vmul.f32 v62, v22;
	v23 =	vmul.f32 v31, v23  }
0xb2: {  	v25 =	vadd.f32 v62, v25;
	v28 =	vadd.f32 v26, v28;
	v17 =	vmul.f32 v26, v17  }
0xb3: {  	v18 =	vadd.f32 v21, v18;
	v22 =	vadd.f32 v22, v32;
	v63 =	vpop (erf)  }
0xb4: {  	v17 =	vadd.f32 v17, v20;
	v24 =	vadd.f32 v31, v24;
	v21 =	vpop (erf)  }
0xb5: {  	v19 =	vadd.f32 v23, v19;
	v26 =	vmul.f32 v21, v38;
	v21 =	vadd.f32 v21, v25;
	v23 =	vpop (erf)  }
0xb6: {  	v25 =	vmul.f32 v63, v27;
	v20 =	vadd.f32 v23, v28;
	v23 =	vmul.f32 v23, v29  }
0xb7: {  	v22 =	vadd.f32 v26, v22;
	v26 =	vadd.f32 v63, v30  }
0xb8: {  	v18 =	vadd.f32 v25, v18;
	v17 =	vadd.f32 v23, v17  }
0xb9: {  	v21 =	vadd.f32 v26, v21;
	v20 =	vadd.f32 v20, v24  }
0xba: {  	v18 =	vadd.f32 v18, v22;
	v17 =	vadd.f32 v17, v19;
	_ =	sdelay $0x1  }
0xbb: {  	v19 =	vadd.f32 v20, v21;
	v17 =	vadd.f32 v17, v18;
	_ =	sdelay $0x1  }
0xbc: {  	v18 =	vperm.xlane v19, v4;
	v20 =	vperm.xlane v17, v4;
	_ =	sdelay $0x1  }
0xbd: {  	v18 =	vadd.f32 v18, v19;
	v17 =	vadd.f32 v20, v17;
	_ =	sdelay $0x1  }
0xbe: {  	v19 =	vperm.xlane v18, v5;
	v20 =	vperm.xlane v17, v5  }
0xbf: {  	_ =	swait.ge [sflag:s15], $0x8000  }
0xc0: {  	[sflag:s15] =	ssyncset.done $0x0;
	v18 =	vadd.f32 v19, v18;
	v17 =	vadd.f32 v20, v17  }
0xc1: {  	s20 =	simm.s32 $0x0;
	[sflag:s15] =	ssyncadd.s32 $0xFFFF8000  }
0xc2: {  	v31 =	vimm.f32 $0.0e+00;
	v25 =	vld [tilespmem:s20+$0x8000];
	v19 =	vperm.xlane v18, v6;
	v20 =	vperm.xlane v17, v6  }
0xc3: {  	v27 =	vimm.f32 $-Inf;
	v28 =	vimm.f32 $-Inf;
	v22 =	vlaneseq.u32;
	v26 =	vld [tilespmem:s20+$0x8010]  }
0xc4: {  	v24 =	vld [tilespmem:s20+$0x8020];
	v18 =	vadd.f32 v19, v18;
	v19 =	vadd.f32 v20, v17;
	v17 =	vperm.xlane v10, v9  }
0xc5: {  	v29 =	vimm.f32 $-Inf;
	v30 =	vimm.f32 $-Inf;
	v32 =	vadd.s32 $0x10, v22;
	v23 =	vld [tilespmem:s20+$0x8030]  }
0xc6: {  	s19 =	simm.s32 $0x100;
	v20 =	vperm.xlane v18, v7;
	v21 =	vperm.xlane v19, v7;
	vm1 =	veq.s32 v22, v17  }
.LBB2_10:
0xc7: {  	s20 =	sshra.s32 s19, $0x2;
	p0 =	sne.s32 s19, $0x3F00;
	s19 =	sadd.s32 $0x100, s19;
	v31 =	vsel vm1, v25, v31;
	vm1 =	veq.s32 v32, v17;
	v32 =	vadd.s32 $0x20, v22;
	v33 =	vmovc v25  }
.Ltmp4:
0xc8: {  	v25 =	vld [tilespmem:s20+$0x8000];
	v31 =	vsel vm1, v26, v31;
	vm1 =	veq.s32 v32, v17;
	v32 =	vadd.s32 $0x30, v22;
	v34 =	vmovc v26;
	(pc) =	sbr.rel @p0 .LBB2_10-.Ltmp4, $4  }
0xc9: {  	v27 =	vmax.f32 v27, v33;
	v26 =	vld [tilespmem:s20+$0x8010];
	v31 =	vsel vm1, v24, v31;
	vm1 =	veq.s32 v32, v17  }
0xca: {  	v28 =	vmax.f32 v28, v34;
	v29 =	vmax.f32 v29, v24;
	v24 =	vld [tilespmem:s20+$0x8020];
	v31 =	vsel vm1, v23, v31  }
0xcb: {  	v22 =	vadd.s32 $0x40, v22;
	v30 =	vmax.f32 v30, v23;
	v23 =	vld [tilespmem:s20+$0x8030]  }
0xcc: {  	v32 =	vadd.s32 $0x10, v22;
	vm1 =	veq.s32 v22, v17  }
0xcd: {  	_ =	sdelay $0x1  }
0xce: {  	v27 =	vmax.f32 v27, v25  }
0xcf: {  	v28 =	vmax.f32 v28, v26;
	v29 =	vmax.f32 v29, v24;
	v30 =	vmax.f32 v30, v23  }
0xd0: {  	v27 =	vmax.f32 v27, v28;
	v55 =	vmax.f32 v29, v30  }
0xd1: {  	v27 =	vmax.f32 v27, v55  }
0xd2: {  	v28 =	vperm.xlane v27, v4;
	_ =	sdelay $0x1  }
0xd3: {  	v27 =	vmax.f32 v27, v28  }
0xd4: {  	v28 =	vperm.xlane v27, v0;
	_ =	sdelay $0x1  }
0xd5: {  	v56 =	vsel vm1, v25, v31;
	vm1 =	veq.s32 v32, v17;
	v58 =	vmax.f32 v27, v28  }
0xd6: {  	v57 =	vadd.s32 $0x20, v22;
	v59 =	vadd.s32 $0x30, v22;
	v27 =	vperm.xlane v58, v1  }
0xd7: {  	v18 =	vadd.f32 v20, v18;
	v19 =	vadd.f32 v21, v19;
	v16 =	vsel vm0, v16, v13  }
0xd8: {  	v25 =	vsel vm1, v26, v56;
	vm1 =	veq.s32 v57, v17;
	v61 =	vmax.f32 v58, v27  }
0xd9: {  	v60 =	vsel vm1, v24, v25;
	vm1 =	veq.s32 v59, v17;
	v63 =	vperm.xlane v61, v2  }
0xda: {  	v11 =	vsel vm0, v11, v12;
	v15 =	vsel vm0, v15, v18;
	v62 =	vsel vm1, v23, v60  }
0xdb: {  	s19 =	simm.s32 $0x1;
	s20 =	simm.s32 $0x8020;
	s21 =	simm.s32 $0x1000;
	v13 =	vsel vm0, v14, v19;
	v12 =	vperm.xlane v62, v17;
	v14 =	vmax.f32 v61, v63  }
.LBB2_12:
0xdc: {  	v17 =	vld [tilespmem:s20+$0x10];
	_ =	sdelay $0x4  }
0xdd: {  	v18 =	vsub.f32 v17, v14;
	_ =	sdelay $0x1  }
0xde: {  	v17 =	vld [tilespmem:s20+$0xFFFFFFF0];
	v19 =	vmul.f32 $1.442695020e+00, v18;
	_ =	sdelay $0x1  }
0xdf: {  	v20 =	vld [tilespmem:s20+$0x0];
	(erf) = vpow2.f32 v19  }
0xe0: {  	s22 =	sadd.s32 $0x40, s20  }
0xe1: {  	v19 =	vld [tilespmem:s22+$0x10]  }
0xe2: {  	v21 =	vsub.f32 v17, v14  }
0xe3: {  	v22 =	vld [tilespmem:s22+$0xFFFFFFF0]  }
0xe4: {  	s23 =	sor.u32 $0x8, s19;
	s31 =	simm.s32 $0x0;
	s24 =	sadd.s32 $0x0, s21;
	v23 =	vld [tilespmem:s22+$0x0];
	v33 =	vsub.f32 v20, v14;
	v20 =	vmul.f32 $1.442695020e+00, v21  }
0xe5: {  	v30 =	vimm.f32 $-Inf;
	s24 =	sand.u32 $0x7F80, s24;
	v17 =	vmov s23;
	s23 =	sand.u32 $0x40, s31  }
0xe6: {  	v25 =	vlaneseq.u32;
	v27 =	vimm.f32 $0.0e+00;
	s23 =	sor.u32 s23, s24;
	v24 =	vsub.f32 v19, v14  }
0xe7: {  	v36 =	vadd.s32 $0x30, v25;
	v26 =	vmul.f32 $1.442695020e+00, v33;
	(erf) = vpow2.f32 v20;
	v19 =	vld [tilespmem:s23+$0x8000]  }
0xe8: {  	v22 =	vsub.f32 v22, v14;
	v17 =	vperm.xlane v10, v17;
	v29 =	vld [tilespmem:s23+$0x8010];
	v28 =	vmul.f32 $1.442695020e+00, v24;
	v20 =	vpop (erf)  }
0xe9: {  	v23 =	vsub.f32 v23, v14;
	v32 =	vld [tilespmem:s23+$0x8020];
	(erf) = vpow2.f32 v26;
	v18 =	vmul.f32 v20, v18  }
0xea: {  	v31 =	vmul.f32 $1.442695020e+00, v22;
	v37 =	vld [tilespmem:s23+$0x8030];
	vm1 =	veq.s32 v25, v17;
	(erf) = vpow2.f32 v28  }
0xeb: {  	v35 =	vld [tilespmem:s23+$0x7000];
	v26 =	vadd.f32 v20, v27;
	v20 =	vadd.s32 $0x10, v25;
	v28 =	vadd.f32 v18, v27  }
0xec: {  	v18 =	vsel vm1, v19, v27;
	vm1 =	veq.s32 v20, v17;
	v20 =	vadd.s32 $0x20, v25  }
0xed: {  	v34 =	vmul.f32 $1.442695020e+00, v23;
	v18 =	vsel vm1, v29, v18;
	vm1 =	veq.s32 v20, v17  }
0xee: {  	s22 =	sadd.s32 $0x40, s22;
	(erf) = vpow2.f32 v31;
	v38 =	vsel vm1, v32, v18;
	vm1 =	veq.s32 v36, v17  }
0xef: {  	v20 =	vmax.f32 v30, v19;
	v18 =	vmax.f32 v30, v32;
	v32 =	vsel vm1, v37, v38;
	v38 =	vld [tilespmem:s22+$0x10]  }
0xf0: {  	v39 =	vld [tilespmem:s22+$0xFFFFFFF0];
	v19 =	vmax.f32 v30, v29;
	v29 =	vsub.f32 v35, v14;
	v35 =	vimm.f32 $0.0e+00;
	v40 =	vpop (erf)  }
0xf1: {  	s26 =	sadd.s32 $0x40, s21;
	v41 =	vld [tilespmem:s22+$0x0];
	(erf) = vpow2.f32 v34;
	v34 =	vimm.f32 $0.0e+00;
	v63 =	vmul.f32 v40, v21  }
0xf2: {  	s25 =	simm.s32 $0x40;
	s26 =	sand.u32 $0x7F80, s26;
	v36 =	vpop (erf);
	v21 =	vmax.f32 v30, v37;
	v42 =	vmul.f32 $1.442695020e+00, v29;
	v31 =	vadd.f32 v40, v27  }
0xf3: {  	s25 =	sand.u32 $0x40, s25;
	s24 =	simm.s32 $0xC0;
	s23 =	simm.s32 $0x80;
	v40 =	vmul.f32 v36, v33;
	v33 =	vimm.f32 $0.0e+00;
	v30 =	vadd.f32 v63, v27;
	v37 =	vpop (erf)  }
.LBB2_13:
0xf4: {  	p0 =	sne.s32 s24, $0xFC0;
	v38 =	vsub.f32 v38, v14;
	s26 =	sor.u32 s25, s26;
	v27 =	vadd.f32 v36, v27;
	(erf) = vpow2.f32 v42;
	v43 =	vmovc v23;
	s25 =	smov.u32 s23  }
0xf5: {  	s23 =	smov.u32 s24;
	v42 =	vsub.f32 v39, v14;
	v39 =	vld [tilespmem:s26+$0x8000];
	v35 =	vadd.f32 v40, v35  }
0xf6: {  	v26 =	vadd.f32 v37, v26;
	v23 =	vsub.f32 v41, v14;
	v36 =	vmul.f32 $1.442695020e+00, v38;
	v40 =	vld [tilespmem:s26+$0x8010]  }
0xf7: {  	v37 =	vmul.f32 v37, v24;
	v24 =	vmov v38;
	v44 =	vmul.f32 $1.442695020e+00, v42;
	v41 =	vld [tilespmem:s26+$0x8020]  }
0xf8: {  	v25 =	vadd.s32 $0x40, v25;
	v45 =	vmul.f32 $1.442695020e+00, v23;
	(erf) = vpow2.f32 v36;
	v46 =	vld [tilespmem:s26+$0x8030]  }
0xf9: {  	vm1 =	veq.s32 v25, v17;
	v50 =	vadd.s32 $0x10, v25;
	v28 =	vadd.f32 v37, v28;
	v47 =	vld [tilespmem:s26+$0x7000]  }
0xfa: {  	v38 =	vadd.s32 $0x20, v25;
	v32 =	vsel vm1, v39, v32;
	vm1 =	veq.s32 v50, v17;
	v48 =	vpop (erf)  }
0xfb: {  	v49 =	vadd.s32 $0x30, v25;
	v32 =	vsel vm1, v40, v32;
	vm1 =	veq.s32 v38, v17;
	v36 =	vpop (erf)  }
0xfc: {  	s22 =	sadd.s32 $0x40, s22;
	v20 =	vmax.f32 v20, v39;
	v32 =	vsel vm1, v41, v32;
	vm1 =	veq.s32 v49, v17  }
.Ltmp5:
0xfd: {  	v19 =	vmax.f32 v19, v40;
	v18 =	vmax.f32 v18, v41;
	v38 =	vld [tilespmem:s22+$0x10];
	v32 =	vsel vm1, v46, v32;
	v37 =	vpop (erf);
	(pc) =	sbr.rel @p0 .LBB2_13-.Ltmp5, $4  }
0xfe: {  	v39 =	vld [tilespmem:s22+$0xFFFFFFF0];
	v34 =	vadd.f32 v37, v34;
	v49 =	vmul.f32 v37, v29;
	v29 =	vsub.f32 v47, v14  }
0xff: {  	v40 =	vmul.f32 v48, v22;
	v22 =	vmovc v42;
	v21 =	vmax.f32 v21, v46;
	v41 =	vld [tilespmem:s22+$0x0];
	(erf) = vpow2.f32 v44  }
0x100: {  	s26 =	sadd.s32 s25, s21;
	(erf) = vpow2.f32 v45;
	v42 =	vmul.f32 $1.442695020e+00, v29;
	v33 =	vadd.f32 v49, v33  }
0x101: {  	s24 =	sadd.s32 $0x40, s24;
	s25 =	sand.u32 $0x40, s25;
	s26 =	sand.u32 $0x7F80, s26;
	v31 =	vadd.f32 v48, v31;
	v30 =	vadd.f32 v40, v30;
	v40 =	vmul.f32 v36, v43;
	v37 =	vpop (erf)  }
0x102: {  	s24 =	sor.u32 s25, s26;
	s22 =	sadd.s32 s23, s21  }
0x103: {  	s30 =	sand.u32 $0x40, s23;
	v43 =	vld [tilespmem:s24+$0x7000];
	s22 =	sand.u32 $0x7F80, s22  }
0x104: {  	s22 =	sor.u32 s30, s22  }
0x105: {  	v38 =	vsub.f32 v38, v14;
	v44 =	vld [tilespmem:s22+$0x7000]  }
0x106: {  	v39 =	vsub.f32 v39, v14  }
0x107: {  	v41 =	vsub.f32 v41, v14;
	v45 =	vmul.f32 $1.442695020e+00, v38  }
0x108: {  	(erf) = vpow2.f32 v42;
	v56 =	vmul.f32 $1.442695020e+00, v39;
	v43 =	vsub.f32 v43, v14  }
0x109: {  	v46 =	vmul.f32 $1.442695020e+00, v41;
	(erf) = vpow2.f32 v45  }
0x10a: {  	(erf) = vpow2.f32 v56;
	v57 =	vmul.f32 $1.442695020e+00, v43;
	v44 =	vsub.f32 v44, v14  }
0x10b: {  	(erf) = vpow2.f32 v46  }
0x10c: {  	v54 =	vld [tilespmem:s24+$0x8010];
	(erf) = vpow2.f32 v57;
	v58 =	vmul.f32 $1.442695020e+00, v44  }
0x10d: {  	v42 =	vld [tilespmem:s22+$0x8010]  }
0x10e: {  	v27 =	vadd.f32 v36, v27;
	v24 =	vmul.f32 v37, v24;
	v45 =	vld [tilespmem:s24+$0x8000];
	v59 =	vpop (erf);
	(erf) = vpow2.f32 v58  }
0x10f: {  	v25 =	vadd.s32 $0x40, v25;
	v26 =	vadd.f32 v37, v26;
	v35 =	vadd.f32 v40, v35  }
0x110: {  	vm1 =	veq.s32 v25, v17;
	v63 =	vadd.s32 $0x10, v25;
	v24 =	vadd.f32 v24, v28;
	v60 =	vpop (erf)  }
0x111: {  	v19 =	vmax.f32 v19, v54;
	v22 =	vmul.f32 v59, v22;
	v31 =	vadd.f32 v59, v31;
	v61 =	vpop (erf)  }
0x112: {  	v23 =	vmul.f32 v60, v23;
	v27 =	vadd.f32 v60, v27;
	v19 =	vmax.f32 v19, v42;
	v62 =	vpop (erf)  }
0x113: {  	v48 =	vsel vm1, v45, v32;
	v22 =	vadd.f32 v22, v30;
	v47 =	vmul.f32 v61, v29;
	v50 =	vpop (erf)  }
0x114: {  	vm1 =	veq.s32 v63, v17;
	v49 =	vadd.f32 v61, v34;
	v23 =	vadd.f32 v23, v35;
	v51 =	vpop (erf)  }
0x115: {  	v28 =	vadd.f32 v47, v33;
	v52 =	vmul.f32 v62, v38;
	v26 =	vadd.f32 v62, v26;
	v53 =	vpop (erf)  }
0x116: {  	v57 =	vmul.f32 v50, v39;
	v31 =	vadd.f32 v50, v31;
	v55 =	vmul.f32 v53, v43  }
0x117: {  	v59 =	vld [tilespmem:s24+$0x8020];
	v24 =	vadd.f32 v52, v24;
	v60 =	vmul.f32 v51, v41;
	v27 =	vadd.f32 v51, v27;
	v58 =	vpop (erf)  }
0x118: {  	v62 =	vld [tilespmem:s24+$0x8030];
	v56 =	vadd.f32 v53, v49;
	v28 =	vadd.f32 v55, v28;
	v61 =	vmul.f32 v58, v44  }
0x119: {  	v63 =	vadd.s32 $0x20, v25;
	v47 =	vld [tilespmem:s22+$0x8030];
	v22 =	vadd.f32 v57, v22;
	v23 =	vadd.f32 v60, v23  }
0x11a: {  	v20 =	vmax.f32 v20, v45;
	v41 =	vld [tilespmem:s22+$0x8000];
	v30 =	vadd.f32 v58, v56;
	v28 =	vadd.f32 v61, v28  }
0x11b: {  	v29 =	vsel vm1, v54, v48;
	v26 =	vadd.f32 v26, v27;
	v23 =	vadd.f32 v24, v23;
	v44 =	vld [tilespmem:s22+$0x8020]  }
0x11c: {  	vm1 =	veq.s32 v63, v17;
	v30 =	vadd.f32 v31, v30;
	v22 =	vadd.f32 v22, v28  }
0x11d: {  	v46 =	vsel vm1, v59, v29;
	v18 =	vmax.f32 v18, v59;
	v21 =	vmax.f32 v21, v62  }
0x11e: {  	v43 =	vadd.s32 $0x30, v25;
	v26 =	vadd.f32 v26, v30;
	v22 =	vadd.f32 v23, v22  }
0x11f: {  	v25 =	vadd.s32 $0x40, v25;
	v21 =	vmax.f32 v21, v47;
	v20 =	vmax.f32 v20, v41  }
0x120: {  	v18 =	vmax.f32 v18, v44;
	v49 =	vperm.xlane v26, v4;
	v50 =	vperm.xlane v22, v4  }
0x121: {  	vm1 =	veq.s32 v43, v17;
	v19 =	vmax.f32 v20, v19;
	v18 =	vmax.f32 v18, v21  }
0x122: {  	v18 =	vmax.f32 v19, v18;
	v24 =	vadd.f32 v49, v26;
	v22 =	vadd.f32 v50, v22  }
0x123: {  	v48 =	vsel vm1, v62, v46;
	vm1 =	veq.s32 v25, v17;
	v53 =	vperm.xlane v18, v4  }
0x124: {  	v19 =	vadd.s32 $0x10, v25;
	v26 =	vperm.xlane v24, v5;
	v51 =	vperm.xlane v22, v5  }
0x125: {  	v23 =	vsel vm1, v41, v48;
	vm1 =	veq.s32 v19, v17  }
0x126: {  	v18 =	vmax.f32 v18, v53;
	v52 =	vadd.f32 v26, v24;
	v19 =	vadd.f32 v51, v22  }
0x127: {  	v57 =	vperm.xlane v18, v5  }
0x128: {  	v54 =	vadd.s32 $0x20, v25;
	v55 =	vperm.xlane v52, v6;
	v56 =	vperm.xlane v19, v6  }
0x129: {  	v58 =	vadd.s32 $0x30, v25;
	v23 =	vsel vm1, v42, v23;
	vm1 =	veq.s32 v54, v17  }
0x12a: {  	s31 =	sadd.s32 $0x7, s19;
	s19 =	sadd.s32 $0x1, s19;
	v18 =	vmax.f32 v18, v57;
	v21 =	vadd.f32 v55, v52;
	v19 =	vadd.f32 v56, v19  }
0x12b: {  	p0 =	sne.s32 s19, $0x8;
	v62 =	vmov s31;
	v59 =	vsel vm1, v44, v23;
	v61 =	vperm.xlane v18, v6  }
.Ltmp6:
0x12c: {  	vm1 =	veq.s32 v58, v17;
	v60 =	vperm.xlane v21, v7;
	v24 =	vperm.xlane v19, v7;
	(pc) =	sbr.rel @p0 .LBB2_12-.Ltmp6, $4  }
0x12d: {  	v22 =	vsel vm1, v47, v59;
	vm1 =	veq.s32 v62, v8;
	v18 =	vmax.f32 v18, v61  }
0x12e: {  	v63 =	vperm.xlane v18, v7;
	v20 =	vadd.f32 v60, v21;
	v19 =	vadd.f32 v24, v19  }
0x12f: {  	v16 =	vsel vm1, v14, v16;
	v11 =	vsel vm1, v12, v11;
	v12 =	vperm.xlane v22, v17  }
0x130: {  	s20 =	sadd.s32 $0x1000, s20;
	s21 =	sadd.s32 $0x1000, s21;
	v14 =	vmax.f32 v18, v63;
	v15 =	vsel vm1, v20, v15;
	v13 =	vsel vm1, v19, v13  }
0x131: {  	s19 =	simm.s32 $0xF030  }
0x132: {  	v10 =	vld [tilespmem:s19+$0xFFFFFFF0]  }
0x133: {  	s20 =	simm.s32 $0x0  }
0x134: {  	s20 =	sand.u32 $0xFC0, s20;
	v17 =	vld [tilespmem:s19+$0xFFFFFFE0]  }
0x135: {  	v18 =	vld [tilespmem:s20+$0xF000]  }
0x136: {  	v19 =	vld [tilespmem:s19+$0x0]  }
0x137: {  	v22 =	vsub.f32 v10, v14  }
0x138: {  	s26 =	simm.s32 $0xF070  }
0x139: {  	v20 =	vld [tilespmem:s26+$0xFFFFFFF0];
	v10 =	vsub.f32 v17, v14;
	v17 =	vmul.f32 $1.442695020e+00, v22  }
0x13a: {  	s28 =	simm.s32 $0x40;
	v21 =	vld [tilespmem:s26+$0x0];
	v25 =	vsub.f32 v18, v14  }
0x13b: {  	s20 =	sand.u32 $0xFC0, s28;
	v19 =	vsub.f32 v19, v14;
	v18 =	vmul.f32 $1.442695020e+00, v10;
	(erf) = vpow2.f32 v17;
	v17 =	vld [tilespmem:s26+$0xFFFFFFE0]  }
0x13c: {  	v26 =	vld [tilespmem:s20+$0xF000];
	v23 =	vmul.f32 $1.442695020e+00, v25  }
0x13d: {  	v24 =	vmul.f32 $1.442695020e+00, v19;
	(erf) = vpow2.f32 v18  }
0x13e: {  	(erf) = vpow2.f32 v23  }
0x13f: {  	v18 =	vsub.f32 v20, v14;
	(erf) = vpow2.f32 v24  }
0x140: {  	s29 =	simm.s32 $0xF0B0;
	v20 =	vsub.f32 v17, v14  }
0x141: {  	v27 =	vld [tilespmem:s29+$0xFFFFFFF0];
	v23 =	vmul.f32 $1.442695020e+00, v18;
	v17 =	vsub.f32 v21, v14;
	v21 =	vsub.f32 v26, v14  }
0x142: {  	v26 =	vld [tilespmem:s29+$0x0];
	v24 =	vmul.f32 $1.442695020e+00, v20  }
0x143: {  	s30 =	simm.s32 $0x80;
	(erf) = vpow2.f32 v23;
	v23 =	vmul.f32 $1.442695020e+00, v21  }
0x144: {  	v32 =	vimm.f32 $0.0e+00;
	v29 =	vld [tilespmem:s29+$0xFFFFFFE0];
	s31 =	sand.u32 $0xFC0, s30;
	v28 =	vmul.f32 $1.442695020e+00, v17;
	v30 =	vpop (erf);
	(erf) = vpow2.f32 v24  }
0x145: {  	v35 =	vimm.f32 $0.0e+00;
	v37 =	vld [tilespmem:s31+$0xF000];
	v22 =	vmul.f32 v30, v22;
	(erf) = vpow2.f32 v23  }
0x146: {  	v33 =	vadd.f32 v30, v32;
	v23 =	vsub.f32 v27, v14;
	v27 =	vimm.f32 $0.0e+00;
	v24 =	vpop (erf)  }
0x147: {  	(erf) = vpow2.f32 v28;
	v28 =	vsub.f32 v26, v14;
	v26 =	vimm.f32 $0.0e+00;
	v36 =	vpop (erf)  }
0x148: {  	v22 =	vadd.f32 v22, v32;
	v38 =	vmul.f32 $1.442695020e+00, v23;
	v31 =	vmul.f32 v36, v25;
	v30 =	vpop (erf)  }
0x149: {  	s19 =	simm.s32 $0xC0;
	s20 =	simm.s32 $0xF0F0;
	v25 =	vsub.f32 v29, v14;
	v29 =	vimm.f32 $0.0e+00;
	v34 =	vadd.f32 v30, v32  }
.LBB2_16:
0x14a: {  	s21 =	sand.u32 $0xFC0, s19;
	v39 =	vld [tilespmem:s20+$0xFFFFFFF0];
	p0 =	sne.s32 s19, $0xFC0;
	s19 =	sadd.s32 $0x40, s19;
	v40 =	vsub.f32 v37, v14;
	v32 =	vadd.f32 v36, v32;
	v36 =	vmul.f32 v24, v10;
	v41 =	vmovc v17  }
0x14b: {  	v27 =	vadd.f32 v31, v27;
	v17 =	vmovc v28;
	v10 =	vmovc v20;
	v42 =	vld [tilespmem:s20+$0x0];
	v43 =	vmul.f32 $1.442695020e+00, v25;
	(erf) = vpow2.f32 v38  }
0x14c: {  	v35 =	vadd.f32 v24, v35;
	v31 =	vmul.f32 $1.442695020e+00, v17;
	v38 =	vld [tilespmem:s20+$0xFFFFFFE0];
	v28 =	vmul.f32 $1.442695020e+00, v40;
	v44 =	vpop (erf)  }
.Ltmp7:
0x14d: {  	v20 =	vmovc v25;
	v29 =	vadd.f32 v36, v29;
	v37 =	vld [tilespmem:s21+$0xF000];
	(erf) = vpow2.f32 v43;
	v43 =	vmul.f32 v44, v18;
	v18 =	vmovc v23;
	(pc) =	sbr.rel @p0 .LBB2_16-.Ltmp7, $4  }
0x14e: {  	v33 =	vadd.f32 v44, v33;
	v44 =	vmul.f32 v30, v19;
	(erf) = vpow2.f32 v28;
	v24 =	vpop (erf)  }
0x14f: {  	v23 =	vsub.f32 v39, v14;
	(erf) = vpow2.f32 v31;
	v22 =	vadd.f32 v43, v22;
	v36 =	vpop (erf)  }
0x150: {  	v26 =	vadd.f32 v44, v26;
	v28 =	vsub.f32 v42, v14;
	v31 =	vmul.f32 v36, v21;
	v30 =	vpop (erf)  }
0x151: {  	s20 =	sadd.s32 $0x40, s20;
	v19 =	vmovc v41;
	v21 =	vmovc v40;
	v25 =	vsub.f32 v38, v14;
	v38 =	vmul.f32 $1.442695020e+00, v23;
	v34 =	vadd.f32 v30, v34  }
0x152: {  	v37 =	vsub.f32 v37, v14  }
0x153: {  	v39 =	vmul.f32 $1.442695020e+00, v25  }
0x154: {  	(erf) = vpow2.f32 v38;
	v55 =	vmul.f32 $1.442695020e+00, v37  }
0x155: {  	v40 =	vmul.f32 $1.442695020e+00, v28;
	(erf) = vpow2.f32 v39  }
0x156: {  	(erf) = vpow2.f32 v55  }
0x157: {  	(erf) = vpow2.f32 v40;
	_ =	sdelay $0x1  }
0x158: {  	v56 =	vpop (erf)  }
0x159: {  	v57 =	vpop (erf)  }
0x15a: {  	v58 =	vpop (erf)  }
0x15b: {  	v35 =	vadd.f32 v24, v35;
	v41 =	vpop (erf)  }
0x15c: {  	v32 =	vadd.f32 v36, v32;
	v42 =	vpop (erf)  }
0x15d: {  	v33 =	vadd.f32 v56, v33;
	v35 =	vadd.f32 v57, v35;
	v59 =	vpop (erf)  }
0x15e: {  	v32 =	vadd.f32 v58, v32;
	v34 =	vadd.f32 v41, v34;
	v43 =	vpop (erf)  }
0x15f: {  	v33 =	vadd.f32 v42, v33;
	v35 =	vadd.f32 v59, v35;
	v44 =	vpop (erf)  }
0x160: {  	v32 =	vadd.f32 v43, v32;
	v34 =	vadd.f32 v44, v34;
	_ =	sdelay $0x1  }
0x161: {  	v32 =	vadd.f32 v35, v32;
	v33 =	vadd.f32 v34, v33;
	_ =	sdelay $0x1  }
0x162: {  	v32 =	vadd.f32 v33, v32;
	_ =	sdelay $0x1  }
0x163: {  	v33 =	vperm.xlane v32, v4;
	_ =	sdelay $0x1  }
0x164: {  	v32 =	vadd.f32 v33, v32;
	_ =	sdelay $0x1  }
0x165: {  	v33 =	vperm.xlane v32, v5;
	_ =	sdelay $0x1  }
0x166: {  	v32 =	vadd.f32 v33, v32;
	_ =	sdelay $0x1  }
0x167: {  	v33 =	vperm.xlane v32, v6;
	_ =	sdelay $0x1  }
0x168: {  	v32 =	vadd.f32 v33, v32;
	_ =	sdelay $0x1  }
0x169: {  	v33 =	vperm.xlane v32, v7;
	_ =	sdelay $0x1  }
0x16a: {  	v32 =	vadd.f32 v33, v32  }
0x16b: {  	vm1 =	vmmov $0x7fff  }
0x16c: {  	v15 =	vsel vm1, v15, v32  }
0x16d: {  	v32 =	vand.u32 $0x7FFFFF, v15  }
0x16e: {  	v32 =	vor.u32 $0x3F800000, v32  }
0x16f: {  	v32 =	vadd.f32 $-1.000000000e+00, v32;
	_ =	sdelay $0x1  }
0x170: {  	v60 =	vadd.f32 $2.000000000e+00, v32;
	_ =	sdelay $0x1  }
0x171: {  	(erf) = vrcp.f32 v60;
	_ =	sdelay $0x8  }
0x172: {  	v33 =	vpop (erf)  }
0x173: {  	v32 =	vmul.f32 v33, v32;
	_ =	sdelay $0x1  }
0x174: {  	v33 =	vmul.f32 v32, v32;
	_ =	sdelay $0x1  }
0x175: {  	v61 =	vmul.f32 $4.000000060e-01, v33;
	_ =	sdelay $0x1  }
0x176: {  	v34 =	vadd.f32 $6.666666860e-01, v61;
	_ =	sdelay $0x1  }
0x177: {  	v62 =	vshra.s32 v15, $0x17;
	v33 =	vmul.f32 v34, v33  }
0x178: {  	v34 =	vadd.s32 $0xFFFFFF81, v62  }
0x179: {  	v34 =	vcvt.s32.f32 v34;
	v33 =	vadd.f32 $2.000000000e+00, v33;
	_ =	sdelay $0x1  }
0x17a: {  	v63 =	vmul.f32 $6.931471820e-01, v34;
	v32 =	vmul.f32 v33, v32;
	_ =	sdelay $0x1  }
0x17b: {  	v32 =	vadd.f32 v32, v63;
	_ =	sdelay $0x1  }
0x17c: {  	v33 =	vsub.f32 $0.0e+00, v32;
	_ =	sdelay $0x1  }
0x17d: {  	v33 =	vmul.f32 $1.442695020e+00, v33;
	_ =	sdelay $0x1  }
0x17e: {  	(erf) = vpow2.f32 v33;
	_ =	sdelay $0x2  }
0x17f: {  	v10 =	vmul.f32 v24, v10  }
0x180: {  	v19 =	vmul.f32 v30, v19  }
0x181: {  	v10 =	vadd.f32 v10, v29;
	v18 =	vmul.f32 v56, v18;
	v20 =	vmul.f32 v57, v20  }
0x182: {  	v19 =	vadd.f32 v19, v26;
	v17 =	vmul.f32 v41, v17  }
0x183: {  	v18 =	vadd.f32 v18, v22;
	v10 =	vadd.f32 v20, v10;
	v45 =	vmul.f32 v42, v23  }
0x184: {  	v21 =	vmul.f32 v58, v21;
	v17 =	vadd.f32 v17, v19;
	v35 =	vadd.f32 v31, v27  }
0x185: {  	v18 =	vadd.f32 v45, v18;
	v47 =	vmul.f32 v59, v25;
	v49 =	vmul.f32 v44, v28;
	v48 =	vpop (erf)  }
0x186: {  	v46 =	vmul.f32 v43, v37;
	v21 =	vadd.f32 v21, v35;
	v23 =	vmul.f32 v48, v15  }
0x187: {  	v10 =	vadd.f32 v47, v10;
	v17 =	vadd.f32 v49, v17  }
0x188: {  	v20 =	vadd.f32 v46, v21;
	v50 =	vadd.f32 $-1.000000000e+00, v23  }
0x189: {  	v17 =	vadd.f32 v17, v18  }
0x18a: {  	v10 =	vadd.f32 v10, v20;
	v51 =	vadd.f32 v50, v32;
	_ =	sdelay $0x1  }
0x18b: {  	v10 =	vadd.f32 v17, v10;
	v52 =	vsub.f32 $0.0e+00, v51;
	_ =	sdelay $0x1  }
0x18c: {  	v53 =	vperm.xlane v10, v4;
	v17 =	vmul.f32 $1.442695020e+00, v52;
	_ =	sdelay $0x1  }
0x18d: {  	v10 =	vadd.f32 v53, v10;
	(erf) = vpow2.f32 v17;
	_ =	sdelay $0x1  }
0x18e: {  	v54 =	vperm.xlane v10, v5;
	_ =	sdelay $0x1  }
0x18f: {  	v10 =	vadd.f32 v54, v10  }
0x190: {  	(erf) = vrcp.f32 v15  }
0x191: {  	v17 =	vperm.xlane v10, v6;
	_ =	sdelay $0x1  }
0x192: {  	v10 =	vadd.f32 v17, v10  }
0x193: {  	v55 =	vpop (erf)  }
0x194: {  	v56 =	vperm.xlane v10, v7;
	v15 =	vmul.f32 v55, v15;
	_ =	sdelay $0x1  }
0x195: {  	v10 =	vadd.f32 v56, v10;
	v15 =	vadd.f32 $-1.000000000e+00, v15  }
0x196: {  	v11 =	vsel vm1, v11, v12;
	v57 =	vsel vm1, v16, v14  }
0x197: {  	v11 =	vsub.f32 v11, v57;
	v10 =	vsel vm1, v13, v10;
	v59 =	vpop (erf);
	v58 =	vadd.f32 v15, v51  }
0x198: {  	v10 =	vmul.f32 v10, v59  }
0x199: {  	v11 =	vsub.f32 v11, v58  }
0x19a: {  	v10 =	vsub.f32 v58, v10  }
0x19b: {  	v60 =	vperm.xlane v11, v5  }
0x19c: {  	v61 =	vperm.xlane v10, v5  }
0x19d: {  	v11 =	vadd.f32 v11, v60  }
0x19e: {  	v10 =	vadd.f32 v10, v61  }
0x19f: {  	v12 =	vperm.xlane v11, v6  }
0x1a0: {  	v13 =	vperm.xlane v10, v6  }
0x1a1: {  	v11 =	vadd.f32 v11, v12  }
0x1a2: {  	v10 =	vadd.f32 v10, v13  }
0x1a3: {  	v12 =	vperm.xlane v11, v7  }
0x1a4: {  	v62 =	vand.u32 $0x1, v8;
	v13 =	vperm.xlane v10, v7  }
0x1a5: {  	v63 =	vmul.u32 $0x8, v62;
	v11 =	vadd.f32 v11, v12  }
0x1a6: {  	v10 =	vadd.f32 v10, v13  }
0x1a7: {  	v11 =	vperm.xlane v11, v63  }
0x1a8: {  	vm1 =	vmmov $0x3;
	v10 =	vperm.xlane v10, v63  }
0x1a9: {  	v11 =	vnsel vm1, $0x0, v11  }
0x1aa: {  	v10 =	vnsel vm1, $0x0, v10;
	[tilespmem:$0x10080] =	vst v11  }
0x1ab: {  	[tilespmem:$0x10100] =	vst v10  }
0x1ac: {  	[hbm4b:s6+s0] =	stream.linear.scatter [tilespmem:s16], [sflag:$0x3], $0x80, $0x38;
	[tilespmem:$0x10180] =	vst v63  }
0x1ad: {  	s18 =	sadd.s32 $0x1, s18;
	_ =	swait.ge [sflag:s10], $0x80  }
0x1ae: {  	p0 =	sne.s32 s18, s8;
	[sflag:s10] =	ssyncset.done $0x0  }
.Ltmp8:
0x1af: {  	[sflag:s10] =	ssyncadd.s32 $0xFFFFFF80;
	(pc) =	sbr.rel @p0 .LBB2_1-.Ltmp8, $4  }
0x1b0: {  	[hbm4b:s7+s0] =	stream.linear.scatter [tilespmem:s17], [sflag:$0x3], $0x80, $0x38;
	[tilespmem:$0x10180] =	vst v63  }
0x1b1: {  	_ =	swait.ge [sflag:s10], $0x80  }
0x1b2: {  	[sflag:s10] =	ssyncset.done $0x0  }
0x1b3: {  	[sflag:s10] =	ssyncadd.s32 $0xFFFFFF80  }
0x1b4: {  	_ =	sfence.sel $0x180000  }
0x1b5: {  	[bflag:$0x0] =	sbarrier.arrive $0xFFFF  }
0x1b6: {  	p0 =	sne.s32 s1, $0x0;
	_ =	strace $0x90000047  }
0x1b7: {  	s0 =	sadd.s32 @!p0 $0x100000, s2;
	[bflag:$0x2] =	sbarrier.arrive $0xFFFF  }
0x1b8: {  	[sflag:s0] =	ssyncadd.tile.s32 @!p0 $0x1;
	_ =	shalt  }
.Lfunc_end2:
_tile_overlayer_lowered:
.L_overlay_start_2:
0x1b9: {  	(tag) =	ssettag $0x2  }
0x1ba: {  	s0 =	rddreg [dreg:$0x0];
	s2 =	stileid.u32  }
0x1bb: {  	s1 =	rddreg [dreg:$0x1];
	p0 =	sne.s32 s2, $0x0  }
0x1bc: {  	s3 =	rddreg [dreg:$0x2];
	[bflag:$0x3] =	sbarrier.arrive $0xFFFF;
	s2 =	simm.s32 @!p0 $0x1C03  }
0x1bd: {  	[timem:s3], [sflag:s2] =	dma.local @!p0 [hbm:s0], s1  }
0x1be: {  	s0 =	simm.s32 @!p0 $0x3  }
0x1bf: {  	_ =	swait.ge @!p0 [sflag:s0], s1  }
0x1c0: {  	s1 =	ssub.s32 @!p0 $0x0, s1;
	[sflag:s0] =	ssyncset.done @!p0 $0x0  }
0x1c1: {  	[sflag:s0] =	ssyncadd.s32 @!p0 s1  }
0x1c2: {  	[bflag:$0x3] =	sbarrier.arrive $0xFFFF  }
0x1c3: {  	_ =	shalt  }

</sc_bundles>
